<compile_context>
chip_gen: v7x
topology: tpu7x:2x2x1
jax: 0.10.2.dev20260603
libtpu: 0.0.44.dev20260713+nightly
codegen_flags: <defaults>
</compile_context>

<pallas_src>
import functools

import jax
import jax.numpy as jnp
from jax import lax
from jax.experimental import pallas as pl
from jax.experimental.pallas import tpu as pltpu
from jax.experimental.pallas import tpu_sc as plsc

_K = 16
_D = 16
_TR = 256
_NM = 512
_NC = 512
_CH = 128


_LANES = 128
_T_CAND = 4


def _tree_min(parts):
    while len(parts) > 1:
        nxt = [jnp.minimum(parts[i], parts[i + 1])
               for i in range(0, len(parts) - 1, 2)]
        if len(parts) % 2:
            nxt.append(parts[-1])
        parts = nxt
    return parts[0]


def _seg_min(a, c, l):
    return _tree_min([a[:, i * l:(i + 1) * l] for i in range(c)])


def _knn_body(xyz_full_ref, xyz_tile_ref, idx_ref):
    b = pl.program_id(0)
    n = xyz_full_ref.shape[2]
    tr = xyz_tile_ref.shape[2]
    c = n // _LANES
    x = xyz_full_ref[0]
    xt = xyz_tile_ref[0]
    sq = jnp.sum(x * x, axis=0, keepdims=True)
    sqt = jnp.sum(xt * xt, axis=0)[:, None]
    cross = lax.dot_general(xt * jnp.float32(-2.0), x,
                            (((0,), (0,)), ((), ())),
                            preferred_element_type=jnp.float32)
    d = (sqt + sq) + cross
    inf = jnp.float32(jnp.inf)

    d = d + jnp.float32(1.0)
    chunk_id = lax.broadcasted_iota(jnp.int32, (tr, n), 1) >> 7
    keys = lax.bitcast_convert_type(
        (lax.bitcast_convert_type(d, jnp.int32) & jnp.int32(~31)) | chunk_id,
        jnp.float32)

    parts = [keys[:, i * _LANES:(i + 1) * _LANES] for i in range(c)]
    cvals = []
    for t in range(_T_CAND):
        if t > 0:
            parts = [jnp.where(p == m, inf, p) for p in parts]
        m = _tree_min(parts)
        cvals.append(m)

    lane_f = lax.broadcasted_iota(jnp.int32, (tr, _LANES), 1).astype(
        jnp.float32)
    bigf = jnp.float32(_LANES)
    f = cvals[0]
    rest = list(cvals[1:]) + [jnp.full((tr, _LANES), inf, jnp.float32)]
    sels = []
    for k in range(_K + 1):
        m = jnp.min(f, axis=1, keepdims=True)
        eq = f == m
        slot = jnp.min(jnp.where(eq, lane_f, bigf), axis=1, keepdims=True)
        if k > 0:
            sels.append((m, slot))
        if k < _K:
            sel = lane_f == slot
            f = jnp.where(sel, rest[0], f)
            for t in range(len(rest) - 1):
                rest[t] = jnp.where(sel, rest[t + 1], rest[t])
    cols = []
    for m, slot in sels:
        chunk = lax.bitcast_convert_type(m, jnp.int32) & jnp.int32(31)
        lane = slot.astype(jnp.int32)
        cols.append((chunk << 7) | lane)
    idxs = jnp.concatenate(cols, axis=1)
    idx_ref[0] = idxs + b * n


def _knn_indices(xyz):
    b, _, n = xyz.shape
    grid = (b, n // _TR)
    return pl.pallas_call(
        _knn_body,
        grid=grid,
        in_specs=[
            pl.BlockSpec((1, 3, n), lambda i, j: (i, 0, 0)),
            pl.BlockSpec((1, 3, _TR), lambda i, j: (i, 0, j)),
        ],
        out_specs=pl.BlockSpec((1, _TR, _K), lambda i, j: (i, j, 0)),
        out_shape=jax.ShapeDtypeStruct((b, n, _K), jnp.int32),
    )(xyz, xyz)


def _gather_rows(table, idx2d):
    rows_total = idx2d.shape[0] * idx2d.shape[1]
    info = plsc.get_sparse_core_info()
    nw = info.num_cores * info.num_subcores
    per_w = rows_total // nw
    n_ch = per_w // _CH

    mesh = plsc.VectorSubcoreMesh(core_axis_name="c", subcore_axis_name="s")

    @functools.partial(
        pl.kernel,
        mesh=mesh,
        compiler_params=pltpu.CompilerParams(use_tc_tiling_on_sc=False),
        out_type=jax.ShapeDtypeStruct((rows_total, _D), jnp.float32),
        scratch_types=[
            pltpu.VMEM((n_ch, _CH), jnp.int32),
            pltpu.VMEM((_CH, _D), jnp.float32),
            pltpu.SemaphoreType.DMA,
        ],
    )
    def _gather_kernel(table_hbm, idx_hbm, out_hbm, idx_v, rows_v, sem):
        wid = lax.axis_index("s") * info.num_cores + lax.axis_index("c")
        base = wid * per_w
        pltpu.sync_copy(idx_hbm.at[pl.ds(wid * n_ch, n_ch)], idx_v)

        def body(j, carry):
            pltpu.async_copy(table_hbm.at[idx_v.at[j]], rows_v, sem).wait()
            pltpu.sync_copy(rows_v, out_hbm.at[pl.ds(base + j * _CH, _CH)])
            return carry

        lax.fori_loop(0, n_ch, body, 0)

    return _gather_kernel(table, idx2d)


def _moments_body(g_ref, c_ref, s_ref, v_ref):
    first = (pl.program_id(0) == 0) & (pl.program_id(1) == 0)
    g = g_ref[0]
    c = c_ref[0]
    diffs = g - c[:, None, :]
    xm = diffs.reshape(g.shape[0] * _K, _D)
    smat = lax.dot_general(xm, xm, (((0,), (0,)), ((), ())),
                           preferred_element_type=jnp.float32)
    vrow = jnp.sum(xm, axis=0, keepdims=True)

    @pl.when(first)
    def _():
        s_ref[...] = jnp.zeros_like(s_ref)
        v_ref[...] = jnp.zeros_like(v_ref)

    s_ref[...] += smat
    v_ref[0:1, :] += vrow


def _moments(gathered4, centers3):
    b, n = centers3.shape[0], centers3.shape[1]
    grid = (b, n // _NM)
    return pl.pallas_call(
        _moments_body,
        grid=grid,
        in_specs=[
            pl.BlockSpec((1, _NM, _K, _D), lambda i, j: (i, j, 0, 0)),
            pl.BlockSpec((1, _NM, _D), lambda i, j: (i, j, 0)),
        ],
        out_specs=[
            pl.BlockSpec((_D, _D), lambda i, j: (0, 0)),
            pl.BlockSpec((8, _D), lambda i, j: (0, 0)),
        ],
        out_shape=[
            jax.ShapeDtypeStruct((_D, _D), jnp.float32),
            jax.ShapeDtypeStruct((8, _D), jnp.float32),
        ],
    )(gathered4, centers3)


def _mlp_body(g_ref, c_ref, w1_ref, b1_ref, w2_ref, b2_ref, o_ref):
    g = g_ref[0]
    c = c_ref[0]
    diffs = g - c[:, None, :]
    xm = diffs.reshape(g.shape[0] * _K, _D)
    h = jnp.dot(xm, w1_ref[...], preferred_element_type=jnp.float32)
    h = jnp.maximum(h + b1_ref[0:1, :], 0.0)
    z = jnp.dot(h, w2_ref[...], preferred_element_type=jnp.float32)
    z = z + b2_ref[0:1, :]
    z3 = z.reshape(g.shape[0], _K, z.shape[1])
    o = jnp.max(z3, axis=1)
    o_ref[0] = jnp.transpose(o)


def _mlp(gathered4, centers3, w1t, b1, w2t, b2):
    b, n = centers3.shape[0], centers3.shape[1]
    cout = w2t.shape[1]
    grid = (b, n // _NC)
    return pl.pallas_call(
        _mlp_body,
        grid=grid,
        in_specs=[
            pl.BlockSpec((1, _NC, _K, _D), lambda i, j: (i, j, 0, 0)),
            pl.BlockSpec((1, _NC, _D), lambda i, j: (i, j, 0)),
            pl.BlockSpec((_D, cout), lambda i, j: (0, 0)),
            pl.BlockSpec((8, cout), lambda i, j: (0, 0)),
            pl.BlockSpec((cout, cout), lambda i, j: (0, 0)),
            pl.BlockSpec((8, cout), lambda i, j: (0, 0)),
        ],
        out_specs=pl.BlockSpec((1, cout, _NC), lambda i, j: (i, 0, j)),
        out_shape=jax.ShapeDtypeStruct((b, cout, n), jnp.float32),
    )(gathered4, centers3, w1t, b1, w2t, b2)


def kernel(xyz, conv1_w, conv1_b, conv2_w, conv2_b, bn_w, bn_b):
    b, _, n = xyz.shape
    cout = conv1_w.shape[0]

    idx = _knn_indices(xyz)

    pts = jnp.transpose(xyz, (0, 2, 1))
    table = jnp.concatenate(
        [pts, jnp.zeros((b, n, _D - 3), jnp.float32)], axis=-1
    ).reshape(b * n, _D)
    idx2d = idx.reshape(-1, _CH)
    gathered = _gather_rows(table, idx2d)
    gathered4 = gathered.reshape(b, n, _K, _D)
    centers3 = table.reshape(b, n, _D)

    smat, vmat = _moments(gathered4, centers3)
    cnt = jnp.float32(b * n * _K)
    mu = vmat[0] / cnt
    sig = smat / cnt - jnp.outer(mu, mu)
    w1p = jnp.concatenate(
        [conv1_w, jnp.zeros((cout, _D - 3), jnp.float32)], axis=1
    )
    mean_c = w1p @ mu + conv1_b
    var_c = jnp.sum((w1p @ sig) * w1p, axis=1)
    scale = bn_w * lax.rsqrt(var_c + 1e-5)
    w1f = w1p * scale[:, None]
    b1f = (conv1_b - mean_c) * scale + bn_b

    b1m = jnp.broadcast_to(b1f[None, :], (8, cout))
    b2m = jnp.broadcast_to(conv2_b[None, :], (8, cout))
    return _mlp(gathered4, centers3, w1f.T, b1m, conv2_w.T, b2m)

# --- scband reference (transcript-rebuilt; emitter-appended) ---
"""Pipeline reference for scband-pointcnn-38319698215330 (READ-ONLY COPY).

The authoritative reference and input builder live on the scoring server;
editing this copy changes nothing except your own understanding.
"""

import jax, jax.numpy as jnp
import numpy as np

K = 16
N_COUT = 32
N_BLOCKS = 2
B = 4
N = 4096


def setup_inputs(seed: int = 0) -> dict:
    key = jax.random.key(seed)
    ks = jax.random.split(key, 4)
    xyz = jax.random.normal(ks[0], (B, 3, N), dtype=jnp.float32)
    conv1_w = jax.random.normal(ks[1], (N_COUT, 3), dtype=jnp.float32) * (1.0 / np.sqrt(3.0))
    conv1_b = jnp.zeros((N_COUT,), dtype=jnp.float32)
    conv2_w = jax.random.normal(ks[2], (N_COUT, N_COUT), dtype=jnp.float32) * (1.0 / np.sqrt(float(N_COUT)))
    conv2_b = jnp.zeros((N_COUT,), dtype=jnp.float32)
    bn_w = jnp.ones((N_COUT,), dtype=jnp.float32)
    bn_b = jnp.zeros((N_COUT,), dtype=jnp.float32)
    return {"xyz": xyz, "conv1_w": conv1_w, "conv1_b": conv1_b,
            "conv2_w": conv2_w, "conv2_b": conv2_b, "bn_w": bn_w, "bn_b": bn_b}


def reference(xyz, conv1_w, conv1_b, conv2_w, conv2_b, bn_w, bn_b):
    # xyz: [B, 3, N] -> [B, N, 3]
    pts = jnp.transpose(xyz, (0, 2, 1))
    # pairwise squared distances [B, N, N]
    sq = jnp.sum(pts * pts, axis=-1)
    dist = sq[:, :, None] + sq[:, None, :] - 2.0 * jnp.einsum('bnc,bmc->bnm', pts, pts)
    # kNN: k*dilation+1 smallest, drop self (first), dilation=1
    _, idx = jax.lax.top_k(-dist, K + 1)   # sorted ascending distance
    idx = idx[:, :, 1:]                    # [B, N, K]
    # index_points gather: [B, N, K, 3]
    grouped = jax.vmap(lambda p, i: p[i])(pts, idx)
    grouped = grouped - pts[:, :, None, :]
    # permute(0, 3, 2, 1): [B, N, K, 3] -> [B, 3, K, N]
    gp = jnp.transpose(grouped, (0, 3, 2, 1))
    for blk in range(N_BLOCKS):
        if blk == 0:
            gp = jnp.einsum('oi,bikn->bokn', conv1_w, gp) + conv1_b[None, :, None, None]
        else:
            gp = jnp.einsum('oi,bikn->bokn', conv2_w, gp) + conv2_b[None, :, None, None]
        if blk == N_BLOCKS - 1:
            return jnp.max(gp, axis=2)   # [B, n_cout, N]
        # BatchNorm2d (training mode: batch statistics over N, K, B dims)
        mean = jnp.mean(gp, axis=(0, 2, 3), keepdims=True)
        var = jnp.mean((gp - mean) ** 2, axis=(0, 2, 3), keepdims=True)
        gp = (gp - mean) / jnp.sqrt(var + 1e-5)
        gp = gp * bn_w[None, :, None, None] + bn_b[None, :, None, None]
        gp = jax.nn.relu(gp)

if __name__ == "__main__":
    import jax
    _d = setup_inputs()
    print(jax.jit(kernel)(*tuple(_d.values())))

</pallas_src>

<mosaic_0001>
#map = affine_map<(d0, d1) -> (0, 0)>
module attributes {stable_mosaic.version = 14 : i64} {
  func.func @_gather_kernel(%arg0: i32, %arg1: i32, %arg2: memref<16384x16xf32, #tpu.memory_space<hbm>>, %arg3: memref<2048x128xi32, #tpu.memory_space<hbm>>, %arg4: memref<262144x16xf32, #tpu.memory_space<hbm>>, %arg5: memref<64x128xi32, #tpu.memory_space<vmem>>, %arg6: memref<128x16xf32, #tpu.memory_space<vmem>>, %arg7: memref<!tpu.dma_semaphore, #tpu.memory_space<semaphore_mem>>) attributes {dimension_semantics = [#tpu.dimension_semantics<core_parallel>, #tpu.dimension_semantics<subcore_parallel>], iteration_bounds = array<i64: 2, 16>, scalar_prefetch = 0 : i64, scratch_operands = 3 : i64, tpu.core_type = #tpu.core_type<sc_vector_subcore>, window_params = [{transform_indices = #map}, {transform_indices = #map}, {transform_indices = #map}]} {
    %mul3A = arith.constant 2 : i32
    %mul3A_0 = arith.muli %arg1, %mul3A : i32
    %add3A = arith.addi %mul3A_0, %arg0 : i32
    %mul3A_1 = arith.constant 8192 : i32
    %mul3A_2 = arith.muli %add3A, %mul3A_1 : i32
    %mul3A_3 = arith.constant 64 : i32
    %mul3A_4 = arith.muli %add3A, %mul3A_3 : i32
    "tpu.region"() ({
      %run_scoped3A = tpu.sem_alloc : memref<!tpu.dma_semaphore, #tpu.memory_space<semaphore_mem>>
      %dma_start3A = arith.constant 0 : i32
      %dma_start3A_10 = tpu.memref_slice %arg3[%mul3A_4, %dma_start3A] : memref<2048x128xi32, #tpu.memory_space<hbm>> -> memref<64x128xi32, #tpu.memory_space<hbm>>
      %dma_start3A_11 = arith.constant 0 : i32
      %dma_start3A_12 = tpu.memref_slice %arg3[%mul3A_4, %dma_start3A_11] : memref<2048x128xi32, #tpu.memory_space<hbm>> -> memref<64x128xi32, #tpu.memory_space<hbm>>
      tpu.enqueue_dma source(%dma_start3A_12 : memref<64x128xi32, #tpu.memory_space<hbm>>) target(%arg5 : memref<64x128xi32, #tpu.memory_space<vmem>>) target_semaphore(%run_scoped3A : memref<!tpu.dma_semaphore, #tpu.memory_space<semaphore_mem>>)
      %dma_wait3A = arith.constant 0 : i32
      %dma_wait3A_13 = tpu.memref_slice %arg3[%mul3A_4, %dma_wait3A] : memref<2048x128xi32, #tpu.memory_space<hbm>> -> memref<64x128xi32, #tpu.memory_space<hbm>>
      %dma_wait3A_14 = arith.constant 0 : i32
      %dma_wait3A_15 = tpu.memref_slice %arg3[%mul3A_4, %dma_wait3A_14] : memref<2048x128xi32, #tpu.memory_space<hbm>> -> memref<64x128xi32, #tpu.memory_space<hbm>>
      tpu.wait_dma2 semaphore(%run_scoped3A : memref<!tpu.dma_semaphore, #tpu.memory_space<semaphore_mem>>) src(%dma_wait3A_15 : memref<64x128xi32, #tpu.memory_space<hbm>>) dst(%arg5 : memref<64x128xi32, #tpu.memory_space<vmem>>)
      tpu.yield
    }) : () -> ()
    %scan3A = arith.constant 0 : i32
    %scan3A_5 = arith.constant 0 : i32
    %scan3A_6 = arith.constant 64 : i32
    %scan3A_7 = arith.addi %scan3A_5, %scan3A_6 : i32
    %scan3A_8 = arith.constant 1 : i32
    scf.for %scan3A_10 = %scan3A_5 to %scan3A_7 step %scan3A_8  : i32 {
      %dma_start3A = arith.constant 0 : i32
      %dma_start3A_11 = tpu.memref_slice %arg5[%scan3A_10, %dma_start3A] : memref<64x128xi32, #tpu.memory_space<vmem>> -> memref<1x128xi32, #tpu.memory_space<vmem>>
      %dma_start3A_12 = tpu.memref_squeeze %dma_start3A_11 : memref<1x128xi32, #tpu.memory_space<vmem>> -> memref<128xi32, #tpu.memory_space<vmem>>
      %dma_start3A_13 = arith.constant 0 : i32
      %dma_start3A_14 = arith.constant 0 : i32
      %dma_start3A_15 = tpu.memref_slice %arg2[%dma_start3A_13, %dma_start3A_14] : memref<16384x16xf32, #tpu.memory_space<hbm>> -> memref<16384x16xf32, #tpu.memory_space<hbm>>
      tpu.enqueue_indirect_dma source(%dma_start3A_15 : memref<16384x16xf32, #tpu.memory_space<hbm>>) target(%arg6 : memref<128x16xf32, #tpu.memory_space<vmem>>) offsets(%dma_start3A_12 : memref<128xi32, #tpu.memory_space<vmem>>) semaphore(%arg7 : memref<!tpu.dma_semaphore, #tpu.memory_space<semaphore_mem>>)
      %dma_wait3A = arith.constant 0 : i32
      %dma_wait3A_16 = tpu.memref_slice %arg5[%scan3A_10, %dma_wait3A] : memref<64x128xi32, #tpu.memory_space<vmem>> -> memref<1x128xi32, #tpu.memory_space<vmem>>
      %dma_wait3A_17 = tpu.memref_squeeze %dma_wait3A_16 : memref<1x128xi32, #tpu.memory_space<vmem>> -> memref<128xi32, #tpu.memory_space<vmem>>
      %dma_wait3A_18 = arith.constant 0 : i32
      %dma_wait3A_19 = arith.constant 0 : i32
      %dma_wait3A_20 = tpu.memref_slice %arg2[%dma_wait3A_18, %dma_wait3A_19] : memref<16384x16xf32, #tpu.memory_space<hbm>> -> memref<16384x16xf32, #tpu.memory_space<hbm>>
      tpu.wait_indirect_dma semaphore(%arg7 : memref<!tpu.dma_semaphore, #tpu.memory_space<semaphore_mem>>) src(%dma_wait3A_20 : memref<16384x16xf32, #tpu.memory_space<hbm>>) dst(%arg6 : memref<128x16xf32, #tpu.memory_space<vmem>>)
      %mul3A_21 = arith.constant 128 : i32
      %mul3A_22 = arith.muli %scan3A_10, %mul3A_21 : i32
      %add3A_23 = arith.addi %mul3A_2, %mul3A_22 : i32
      "tpu.region"() ({
        %run_scoped3A = tpu.sem_alloc : memref<!tpu.dma_semaphore, #tpu.memory_space<semaphore_mem>>
        %dma_start3A_24 = arith.constant 0 : i32
        %dma_start3A_25 = tpu.memref_slice %arg4[%add3A_23, %dma_start3A_24] : memref<262144x16xf32, #tpu.memory_space<hbm>> -> memref<128x16xf32, #tpu.memory_space<hbm>>
        %dma_start3A_26 = arith.constant 0 : i32
        %dma_start3A_27 = tpu.memref_slice %arg4[%add3A_23, %dma_start3A_26] : memref<262144x16xf32, #tpu.memory_space<hbm>> -> memref<128x16xf32, #tpu.memory_space<hbm>>
        tpu.enqueue_dma source(%arg6 : memref<128x16xf32, #tpu.memory_space<vmem>>) target(%dma_start3A_27 : memref<128x16xf32, #tpu.memory_space<hbm>>) target_semaphore(%run_scoped3A : memref<!tpu.dma_semaphore, #tpu.memory_space<semaphore_mem>>)
        %dma_wait3A_28 = arith.constant 0 : i32
        %dma_wait3A_29 = tpu.memref_slice %arg4[%add3A_23, %dma_wait3A_28] : memref<262144x16xf32, #tpu.memory_space<hbm>> -> memref<128x16xf32, #tpu.memory_space<hbm>>
        %dma_wait3A_30 = arith.constant 0 : i32
        %dma_wait3A_31 = tpu.memref_slice %arg4[%add3A_23, %dma_wait3A_30] : memref<262144x16xf32, #tpu.memory_space<hbm>> -> memref<128x16xf32, #tpu.memory_space<hbm>>
        tpu.wait_dma2 semaphore(%run_scoped3A : memref<!tpu.dma_semaphore, #tpu.memory_space<semaphore_mem>>) src(%arg6 : memref<128x16xf32, #tpu.memory_space<vmem>>) dst(%dma_wait3A_31 : memref<128x16xf32, #tpu.memory_space<hbm>>)
        tpu.yield
      }) : () -> ()
    }
    %scan3A_9 = arith.constant 64 : i32
    return
  }
}

module attributes {stable_mosaic.version = 14 : i64} {
  func.func @_knn_body(%arg0: i32, %arg1: i32, %arg2: memref<1x3x4096xf32, #tpu.memory_space<vmem>>, %arg3: memref<1x3x256xf32, #tpu.memory_space<vmem>>, %arg4: memref<1x256x16xi32, #tpu.memory_space<vmem>>) attributes {dimension_semantics = [#tpu.dimension_semantics<arbitrary>, #tpu.dimension_semantics<arbitrary>], iteration_bounds = array<i64: 4, 16>, scalar_prefetch = 0 : i64, scratch_operands = 0 : i64, tpu.core_type = #tpu.core_type<tc>, window_params = [{transform_indices = @transform_0, window_bounds = array<i64: 1, 3, 4096>}, {transform_indices = @transform_1, window_bounds = array<i64: 1, 3, 256>}, {transform_indices = @transform_2, window_bounds = array<i64: 1, 256, 16>}]} {
    %get3A = arith.constant 0 : index
    %get3A_0 = arith.constant 0 : index
    %get3A_1 = arith.constant 0 : index
    %get3A_2 = vector.load %arg2[%get3A, %get3A_0, %get3A_1] : memref<1x3x4096xf32, #tpu.memory_space<vmem>>, vector<1x3x4096xf32>
    %get3A_3 = vector.shape_cast %get3A_2 : vector<1x3x4096xf32> to vector<3x4096xf32>
    %get3A_4 = arith.constant 0 : index
    %get3A_5 = arith.constant 0 : index
    %get3A_6 = arith.constant 0 : index
    %get3A_7 = vector.load %arg3[%get3A_4, %get3A_5, %get3A_6] : memref<1x3x256xf32, #tpu.memory_space<vmem>>, vector<1x3x256xf32>
    %get3A_8 = vector.shape_cast %get3A_7 : vector<1x3x256xf32> to vector<3x256xf32>
    %mul3A = arith.mulf %get3A_3, %get3A_3 : vector<3x4096xf32>
    %reduce_sum3A = arith.constant dense<0.000000e+00> : vector<4096xf32>
    %reduce_sum3A_9 = vector.multi_reduction <add>, %mul3A, %reduce_sum3A [0] : vector<3x4096xf32> to vector<4096xf32>
    %broadcast_in_dim3A = vector.shape_cast %reduce_sum3A_9 : vector<4096xf32> to vector<1x4096xf32>
    %mul3A_10 = arith.mulf %get3A_8, %get3A_8 : vector<3x256xf32>
    %reduce_sum3A_11 = arith.constant dense<0.000000e+00> : vector<256xf32>
    %reduce_sum3A_12 = vector.multi_reduction <add>, %mul3A_10, %reduce_sum3A_11 [0] : vector<3x256xf32> to vector<256xf32>
    %broadcast_in_dim3A_13 = vector.shape_cast %reduce_sum3A_12 : vector<256xf32> to vector<256x1xf32>
    %mul3A_14 = arith.constant -2.000000e+00 : f32
    %mul3A_15 = vector.broadcast %mul3A_14 : f32 to vector<3x256xf32>
    %mul3A_16 = arith.mulf %get3A_8, %mul3A_15 : vector<3x256xf32>
    %dot_general3A = arith.constant dense<0.000000e+00> : vector<256x4096xf32>
    %dot_general3A_17 = tpu.matmul %mul3A_16, %get3A_3, %dot_general3A {dimension_numbers = #tpu.dot_dimension_numbers<[0], [0], [1], [1], [0, 1, 1, 1], [], []>, transpose_lhs_hint = false} : vector<3x256xf32>, vector<3x4096xf32>, vector<256x4096xf32> -> vector<256x4096xf32>
    %add3A = vector.broadcast %broadcast_in_dim3A_13 : vector<256x1xf32> to vector<256x4096xf32>
    %add3A_18 = vector.broadcast %broadcast_in_dim3A : vector<1x4096xf32> to vector<256x4096xf32>
    %add3A_19 = arith.addf %add3A, %add3A_18 : vector<256x4096xf32>
    %add3A_20 = arith.addf %add3A_19, %dot_general3A_17 : vector<256x4096xf32>
    %add3A_21 = arith.constant 1.000000e+00 : f32
    %add3A_22 = vector.broadcast %add3A_21 : f32 to vector<256x4096xf32>
    %add3A_23 = arith.addf %add3A_20, %add3A_22 : vector<256x4096xf32>
    %iota3A = tpu.iota {dimensions = array<i32: 1>} : vector<256x4096xi32>
    %shift_right_arithmetic3A = arith.constant 7 : i32
    %shift_right_arithmetic3A_24 = vector.broadcast %shift_right_arithmetic3A : i32 to vector<256x4096xi32>
    %shift_right_arithmetic3A_25 = arith.shrsi %iota3A, %shift_right_arithmetic3A_24 : vector<256x4096xi32>
    %bitcast_convert_type3A = tpu.bitcast %add3A_23 : vector<256x4096xf32> -> vector<256x4096xi32>
    %and3A = arith.constant -32 : i32
    %and3A_26 = vector.broadcast %and3A : i32 to vector<256x4096xi32>
    %and3A_27 = arith.andi %bitcast_convert_type3A, %and3A_26 : vector<256x4096xi32>
    %or3A = arith.ori %and3A_27, %shift_right_arithmetic3A_25 : vector<256x4096xi32>
    %bitcast_convert_type3A_28 = tpu.bitcast %or3A : vector<256x4096xi32> -> vector<256x4096xf32>
    %slice3A = vector.extract_strided_slice %bitcast_convert_type3A_28 {offsets = [0, 0], sizes = [256, 128], strides = [1, 1]} : vector<256x4096xf32> to vector<256x128xf32>
    %slice3A_29 = vector.extract_strided_slice %bitcast_convert_type3A_28 {offsets = [0, 128], sizes = [256, 128], strides = [1, 1]} : vector<256x4096xf32> to vector<256x128xf32>
    %slice3A_30 = vector.extract_strided_slice %bitcast_convert_type3A_28 {offsets = [0, 256], sizes = [256, 128], strides = [1, 1]} : vector<256x4096xf32> to vector<256x128xf32>
    %slice3A_31 = vector.extract_strided_slice %bitcast_convert_type3A_28 {offsets = [0, 384], sizes = [256, 128], strides = [1, 1]} : vector<256x4096xf32> to vector<256x128xf32>
    %slice3A_32 = vector.extract_strided_slice %bitcast_convert_type3A_28 {offsets = [0, 512], sizes = [256, 128], strides = [1, 1]} : vector<256x4096xf32> to vector<256x128xf32>
    %slice3A_33 = vector.extract_strided_slice %bitcast_convert_type3A_28 {offsets = [0, 640], sizes = [256, 128], strides = [1, 1]} : vector<256x4096xf32> to vector<256x128xf32>
    %slice3A_34 = vector.extract_strided_slice %bitcast_convert_type3A_28 {offsets = [0, 768], sizes = [256, 128], strides = [1, 1]} : vector<256x4096xf32> to vector<256x128xf32>
    %slice3A_35 = vector.extract_strided_slice %bitcast_convert_type3A_28 {offsets = [0, 896], sizes = [256, 128], strides = [1, 1]} : vector<256x4096xf32> to vector<256x128xf32>
    %slice3A_36 = vector.extract_strided_slice %bitcast_convert_type3A_28 {offsets = [0, 1024], sizes = [256, 128], strides = [1, 1]} : vector<256x4096xf32> to vector<256x128xf32>
    %slice3A_37 = vector.extract_strided_slice %bitcast_convert_type3A_28 {offsets = [0, 1152], sizes = [256, 128], strides = [1, 1]} : vector<256x4096xf32> to vector<256x128xf32>
    %slice3A_38 = vector.extract_strided_slice %bitcast_convert_type3A_28 {offsets = [0, 1280], sizes = [256, 128], strides = [1, 1]} : vector<256x4096xf32> to vector<256x128xf32>
    %slice3A_39 = vector.extract_strided_slice %bitcast_convert_type3A_28 {offsets = [0, 1408], sizes = [256, 128], strides = [1, 1]} : vector<256x4096xf32> to vector<256x128xf32>
    %slice3A_40 = vector.extract_strided_slice %bitcast_convert_type3A_28 {offsets = [0, 1536], sizes = [256, 128], strides = [1, 1]} : vector<256x4096xf32> to vector<256x128xf32>
    %slice3A_41 = vector.extract_strided_slice %bitcast_convert_type3A_28 {offsets = [0, 1664], sizes = [256, 128], strides = [1, 1]} : vector<256x4096xf32> to vector<256x128xf32>
    %slice3A_42 = vector.extract_strided_slice %bitcast_convert_type3A_28 {offsets = [0, 1792], sizes = [256, 128], strides = [1, 1]} : vector<256x4096xf32> to vector<256x128xf32>
    %slice3A_43 = vector.extract_strided_slice %bitcast_convert_type3A_28 {offsets = [0, 1920], sizes = [256, 128], strides = [1, 1]} : vector<256x4096xf32> to vector<256x128xf32>
    %slice3A_44 = vector.extract_strided_slice %bitcast_convert_type3A_28 {offsets = [0, 2048], sizes = [256, 128], strides = [1, 1]} : vector<256x4096xf32> to vector<256x128xf32>
    %slice3A_45 = vector.extract_strided_slice %bitcast_convert_type3A_28 {offsets = [0, 2176], sizes = [256, 128], strides = [1, 1]} : vector<256x4096xf32> to vector<256x128xf32>
    %slice3A_46 = vector.extract_strided_slice %bitcast_convert_type3A_28 {offsets = [0, 2304], sizes = [256, 128], strides = [1, 1]} : vector<256x4096xf32> to vector<256x128xf32>
    %slice3A_47 = vector.extract_strided_slice %bitcast_convert_type3A_28 {offsets = [0, 2432], sizes = [256, 128], strides = [1, 1]} : vector<256x4096xf32> to vector<256x128xf32>
    %slice3A_48 = vector.extract_strided_slice %bitcast_convert_type3A_28 {offsets = [0, 2560], sizes = [256, 128], strides = [1, 1]} : vector<256x4096xf32> to vector<256x128xf32>
    %slice3A_49 = vector.extract_strided_slice %bitcast_convert_type3A_28 {offsets = [0, 2688], sizes = [256, 128], strides = [1, 1]} : vector<256x4096xf32> to vector<256x128xf32>
    %slice3A_50 = vector.extract_strided_slice %bitcast_convert_type3A_28 {offsets = [0, 2816], sizes = [256, 128], strides = [1, 1]} : vector<256x4096xf32> to vector<256x128xf32>
    %slice3A_51 = vector.extract_strided_slice %bitcast_convert_type3A_28 {offsets = [0, 2944], sizes = [256, 128], strides = [1, 1]} : vector<256x4096xf32> to vector<256x128xf32>
    %slice3A_52 = vector.extract_strided_slice %bitcast_convert_type3A_28 {offsets = [0, 3072], sizes = [256, 128], strides = [1, 1]} : vector<256x4096xf32> to vector<256x128xf32>
    %slice3A_53 = vector.extract_strided_slice %bitcast_convert_type3A_28 {offsets = [0, 3200], sizes = [256, 128], strides = [1, 1]} : vector<256x4096xf32> to vector<256x128xf32>
    %slice3A_54 = vector.extract_strided_slice %bitcast_convert_type3A_28 {offsets = [0, 3328], sizes = [256, 128], strides = [1, 1]} : vector<256x4096xf32> to vector<256x128xf32>
    %slice3A_55 = vector.extract_strided_slice %bitcast_convert_type3A_28 {offsets = [0, 3456], sizes = [256, 128], strides = [1, 1]} : vector<256x4096xf32> to vector<256x128xf32>
    %slice3A_56 = vector.extract_strided_slice %bitcast_convert_type3A_28 {offsets = [0, 3584], sizes = [256, 128], strides = [1, 1]} : vector<256x4096xf32> to vector<256x128xf32>
    %slice3A_57 = vector.extract_strided_slice %bitcast_convert_type3A_28 {offsets = [0, 3712], sizes = [256, 128], strides = [1, 1]} : vector<256x4096xf32> to vector<256x128xf32>
    %slice3A_58 = vector.extract_strided_slice %bitcast_convert_type3A_28 {offsets = [0, 3840], sizes = [256, 128], strides = [1, 1]} : vector<256x4096xf32> to vector<256x128xf32>
    %slice3A_59 = vector.extract_strided_slice %bitcast_convert_type3A_28 {offsets = [0, 3968], sizes = [256, 128], strides = [1, 1]} : vector<256x4096xf32> to vector<256x128xf32>
    %min3A = arith.minimumf %slice3A, %slice3A_29 : vector<256x128xf32>
    %min3A_60 = arith.minimumf %slice3A_30, %slice3A_31 : vector<256x128xf32>
    %min3A_61 = arith.minimumf %slice3A_32, %slice3A_33 : vector<256x128xf32>
    %min3A_62 = arith.minimumf %slice3A_34, %slice3A_35 : vector<256x128xf32>
    %min3A_63 = arith.minimumf %slice3A_36, %slice3A_37 : vector<256x128xf32>
    %min3A_64 = arith.minimumf %slice3A_38, %slice3A_39 : vector<256x128xf32>
    %min3A_65 = arith.minimumf %slice3A_40, %slice3A_41 : vector<256x128xf32>
    %min3A_66 = arith.minimumf %slice3A_42, %slice3A_43 : vector<256x128xf32>
    %min3A_67 = arith.minimumf %slice3A_44, %slice3A_45 : vector<256x128xf32>
    %min3A_68 = arith.minimumf %slice3A_46, %slice3A_47 : vector<256x128xf32>
    %min3A_69 = arith.minimumf %slice3A_48, %slice3A_49 : vector<256x128xf32>
    %min3A_70 = arith.minimumf %slice3A_50, %slice3A_51 : vector<256x128xf32>
    %min3A_71 = arith.minimumf %slice3A_52, %slice3A_53 : vector<256x128xf32>
    %min3A_72 = arith.minimumf %slice3A_54, %slice3A_55 : vector<256x128xf32>
    %min3A_73 = arith.minimumf %slice3A_56, %slice3A_57 : vector<256x128xf32>
    %min3A_74 = arith.minimumf %slice3A_58, %slice3A_59 : vector<256x128xf32>
    %min3A_75 = arith.minimumf %min3A, %min3A_60 : vector<256x128xf32>
    %min3A_76 = arith.minimumf %min3A_61, %min3A_62 : vector<256x128xf32>
    %min3A_77 = arith.minimumf %min3A_63, %min3A_64 : vector<256x128xf32>
    %min3A_78 = arith.minimumf %min3A_65, %min3A_66 : vector<256x128xf32>
    %min3A_79 = arith.minimumf %min3A_67, %min3A_68 : vector<256x128xf32>
    %min3A_80 = arith.minimumf %min3A_69, %min3A_70 : vector<256x128xf32>
    %min3A_81 = arith.minimumf %min3A_71, %min3A_72 : vector<256x128xf32>
    %min3A_82 = arith.minimumf %min3A_73, %min3A_74 : vector<256x128xf32>
    %min3A_83 = arith.minimumf %min3A_75, %min3A_76 : vector<256x128xf32>
    %min3A_84 = arith.minimumf %min3A_77, %min3A_78 : vector<256x128xf32>
    %min3A_85 = arith.minimumf %min3A_79, %min3A_80 : vector<256x128xf32>
    %min3A_86 = arith.minimumf %min3A_81, %min3A_82 : vector<256x128xf32>
    %min3A_87 = arith.minimumf %min3A_83, %min3A_84 : vector<256x128xf32>
    %min3A_88 = arith.minimumf %min3A_85, %min3A_86 : vector<256x128xf32>
    %min3A_89 = arith.minimumf %min3A_87, %min3A_88 : vector<256x128xf32>
    %eq3A = arith.cmpf oeq, %slice3A, %min3A_89 : vector<256x128xf32>
    %jit3A = arith.constant 0x7F800000 : f32
    %broadcast_in_dim3A_90 = vector.broadcast %jit3A : f32 to vector<256x128xf32>
    %select_n3A = arith.select %eq3A, %broadcast_in_dim3A_90, %slice3A : vector<256x128xi1>, vector<256x128xf32>
    %eq3A_91 = arith.cmpf oeq, %slice3A_29, %min3A_89 : vector<256x128xf32>
    %jit3A_92 = arith.constant 0x7F800000 : f32
    %broadcast_in_dim3A_93 = vector.broadcast %jit3A_92 : f32 to vector<256x128xf32>
    %select_n3A_94 = arith.select %eq3A_91, %broadcast_in_dim3A_93, %slice3A_29 : vector<256x128xi1>, vector<256x128xf32>
    %eq3A_95 = arith.cmpf oeq, %slice3A_30, %min3A_89 : vector<256x128xf32>
    %jit3A_96 = arith.constant 0x7F800000 : f32
    %broadcast_in_dim3A_97 = vector.broadcast %jit3A_96 : f32 to vector<256x128xf32>
    %select_n3A_98 = arith.select %eq3A_95, %broadcast_in_dim3A_97, %slice3A_30 : vector<256x128xi1>, vector<256x128xf32>
    %eq3A_99 = arith.cmpf oeq, %slice3A_31, %min3A_89 : vector<256x128xf32>
    %jit3A_100 = arith.constant 0x7F800000 : f32
    %broadcast_in_dim3A_101 = vector.broadcast %jit3A_100 : f32 to vector<256x128xf32>
    %select_n3A_102 = arith.select %eq3A_99, %broadcast_in_dim3A_101, %slice3A_31 : vector<256x128xi1>, vector<256x128xf32>
    %eq3A_103 = arith.cmpf oeq, %slice3A_32, %min3A_89 : vector<256x128xf32>
    %jit3A_104 = arith.constant 0x7F800000 : f32
    %broadcast_in_dim3A_105 = vector.broadcast %jit3A_104 : f32 to vector<256x128xf32>
    %select_n3A_106 = arith.select %eq3A_103, %broadcast_in_dim3A_105, %slice3A_32 : vector<256x128xi1>, vector<256x128xf32>
    %eq3A_107 = arith.cmpf oeq, %slice3A_33, %min3A_89 : vector<256x128xf32>
    %jit3A_108 = arith.constant 0x7F800000 : f32
    %broadcast_in_dim3A_109 = vector.broadcast %jit3A_108 : f32 to vector<256x128xf32>
    %select_n3A_110 = arith.select %eq3A_107, %broadcast_in_dim3A_109, %slice3A_33 : vector<256x128xi1>, vector<256x128xf32>
    %eq3A_111 = arith.cmpf oeq, %slice3A_34, %min3A_89 : vector<256x128xf32>
    %jit3A_112 = arith.constant 0x7F800000 : f32
    %broadcast_in_dim3A_113 = vector.broadcast %jit3A_112 : f32 to vector<256x128xf32>
    %select_n3A_114 = arith.select %eq3A_111, %broadcast_in_dim3A_113, %slice3A_34 : vector<256x128xi1>, vector<256x128xf32>
    %eq3A_115 = arith.cmpf oeq, %slice3A_35, %min3A_89 : vector<256x128xf32>
    %jit3A_116 = arith.constant 0x7F800000 : f32
    %broadcast_in_dim3A_117 = vector.broadcast %jit3A_116 : f32 to vector<256x128xf32>
    %select_n3A_118 = arith.select %eq3A_115, %broadcast_in_dim3A_117, %slice3A_35 : vector<256x128xi1>, vector<256x128xf32>
    %eq3A_119 = arith.cmpf oeq, %slice3A_36, %min3A_89 : vector<256x128xf32>
    %jit3A_120 = arith.constant 0x7F800000 : f32
    %broadcast_in_dim3A_121 = vector.broadcast %jit3A_120 : f32 to vector<256x128xf32>
    %select_n3A_122 = arith.select %eq3A_119, %broadcast_in_dim3A_121, %slice3A_36 : vector<256x128xi1>, vector<256x128xf32>
    %eq3A_123 = arith.cmpf oeq, %slice3A_37, %min3A_89 : vector<256x128xf32>
    %jit3A_124 = arith.constant 0x7F800000 : f32
    %broadcast_in_dim3A_125 = vector.broadcast %jit3A_124 : f32 to vector<256x128xf32>
    %select_n3A_126 = arith.select %eq3A_123, %broadcast_in_dim3A_125, %slice3A_37 : vector<256x128xi1>, vector<256x128xf32>
    %eq3A_127 = arith.cmpf oeq, %slice3A_38, %min3A_89 : vector<256x128xf32>
    %jit3A_128 = arith.constant 0x7F800000 : f32
    %broadcast_in_dim3A_129 = vector.broadcast %jit3A_128 : f32 to vector<256x128xf32>
    %select_n3A_130 = arith.select %eq3A_127, %broadcast_in_dim3A_129, %slice3A_38 : vector<256x128xi1>, vector<256x128xf32>
    %eq3A_131 = arith.cmpf oeq, %slice3A_39, %min3A_89 : vector<256x128xf32>
    %jit3A_132 = arith.constant 0x7F800000 : f32
    %broadcast_in_dim3A_133 = vector.broadcast %jit3A_132 : f32 to vector<256x128xf32>
    %select_n3A_134 = arith.select %eq3A_131, %broadcast_in_dim3A_133, %slice3A_39 : vector<256x128xi1>, vector<256x128xf32>
    %eq3A_135 = arith.cmpf oeq, %slice3A_40, %min3A_89 : vector<256x128xf32>
    %jit3A_136 = arith.constant 0x7F800000 : f32
    %broadcast_in_dim3A_137 = vector.broadcast %jit3A_136 : f32 to vector<256x128xf32>
    %select_n3A_138 = arith.select %eq3A_135, %broadcast_in_dim3A_137, %slice3A_40 : vector<256x128xi1>, vector<256x128xf32>
    %eq3A_139 = arith.cmpf oeq, %slice3A_41, %min3A_89 : vector<256x128xf32>
    %jit3A_140 = arith.constant 0x7F800000 : f32
    %broadcast_in_dim3A_141 = vector.broadcast %jit3A_140 : f32 to vector<256x128xf32>
    %select_n3A_142 = arith.select %eq3A_139, %broadcast_in_dim3A_141, %slice3A_41 : vector<256x128xi1>, vector<256x128xf32>
    %eq3A_143 = arith.cmpf oeq, %slice3A_42, %min3A_89 : vector<256x128xf32>
    %jit3A_144 = arith.constant 0x7F800000 : f32
    %broadcast_in_dim3A_145 = vector.broadcast %jit3A_144 : f32 to vector<256x128xf32>
    %select_n3A_146 = arith.select %eq3A_143, %broadcast_in_dim3A_145, %slice3A_42 : vector<256x128xi1>, vector<256x128xf32>
    %eq3A_147 = arith.cmpf oeq, %slice3A_43, %min3A_89 : vector<256x128xf32>
    %jit3A_148 = arith.constant 0x7F800000 : f32
    %broadcast_in_dim3A_149 = vector.broadcast %jit3A_148 : f32 to vector<256x128xf32>
    %select_n3A_150 = arith.select %eq3A_147, %broadcast_in_dim3A_149, %slice3A_43 : vector<256x128xi1>, vector<256x128xf32>
    %eq3A_151 = arith.cmpf oeq, %slice3A_44, %min3A_89 : vector<256x128xf32>
    %jit3A_152 = arith.constant 0x7F800000 : f32
    %broadcast_in_dim3A_153 = vector.broadcast %jit3A_152 : f32 to vector<256x128xf32>
    %select_n3A_154 = arith.select %eq3A_151, %broadcast_in_dim3A_153, %slice3A_44 : vector<256x128xi1>, vector<256x128xf32>
    %eq3A_155 = arith.cmpf oeq, %slice3A_45, %min3A_89 : vector<256x128xf32>
    %jit3A_156 = arith.constant 0x7F800000 : f32
    %broadcast_in_dim3A_157 = vector.broadcast %jit3A_156 : f32 to vector<256x128xf32>
    %select_n3A_158 = arith.select %eq3A_155, %broadcast_in_dim3A_157, %slice3A_45 : vector<256x128xi1>, vector<256x128xf32>
    %eq3A_159 = arith.cmpf oeq, %slice3A_46, %min3A_89 : vector<256x128xf32>
    %jit3A_160 = arith.constant 0x7F800000 : f32
    %broadcast_in_dim3A_161 = vector.broadcast %jit3A_160 : f32 to vector<256x128xf32>
    %select_n3A_162 = arith.select %eq3A_159, %broadcast_in_dim3A_161, %slice3A_46 : vector<256x128xi1>, vector<256x128xf32>
    %eq3A_163 = arith.cmpf oeq, %slice3A_47, %min3A_89 : vector<256x128xf32>
    %jit3A_164 = arith.constant 0x7F800000 : f32
    %broadcast_in_dim3A_165 = vector.broadcast %jit3A_164 : f32 to vector<256x128xf32>
    %select_n3A_166 = arith.select %eq3A_163, %broadcast_in_dim3A_165, %slice3A_47 : vector<256x128xi1>, vector<256x128xf32>
    %eq3A_167 = arith.cmpf oeq, %slice3A_48, %min3A_89 : vector<256x128xf32>
    %jit3A_168 = arith.constant 0x7F800000 : f32
    %broadcast_in_dim3A_169 = vector.broadcast %jit3A_168 : f32 to vector<256x128xf32>
    %select_n3A_170 = arith.select %eq3A_167, %broadcast_in_dim3A_169, %slice3A_48 : vector<256x128xi1>, vector<256x128xf32>
    %eq3A_171 = arith.cmpf oeq, %slice3A_49, %min3A_89 : vector<256x128xf32>
    %jit3A_172 = arith.constant 0x7F800000 : f32
    %broadcast_in_dim3A_173 = vector.broadcast %jit3A_172 : f32 to vector<256x128xf32>
    %select_n3A_174 = arith.select %eq3A_171, %broadcast_in_dim3A_173, %slice3A_49 : vector<256x128xi1>, vector<256x128xf32>
    %eq3A_175 = arith.cmpf oeq, %slice3A_50, %min3A_89 : vector<256x128xf32>
    %jit3A_176 = arith.constant 0x7F800000 : f32
    %broadcast_in_dim3A_177 = vector.broadcast %jit3A_176 : f32 to vector<256x128xf32>
    %select_n3A_178 = arith.select %eq3A_175, %broadcast_in_dim3A_177, %slice3A_50 : vector<256x128xi1>, vector<256x128xf32>
    %eq3A_179 = arith.cmpf oeq, %slice3A_51, %min3A_89 : vector<256x128xf32>
    %jit3A_180 = arith.constant 0x7F800000 : f32
    %broadcast_in_dim3A_181 = vector.broadcast %jit3A_180 : f32 to vector<256x128xf32>
    %select_n3A_182 = arith.select %eq3A_179, %broadcast_in_dim3A_181, %slice3A_51 : vector<256x128xi1>, vector<256x128xf32>
    %eq3A_183 = arith.cmpf oeq, %slice3A_52, %min3A_89 : vector<256x128xf32>
    %jit3A_184 = arith.constant 0x7F800000 : f32
    %broadcast_in_dim3A_185 = vector.broadcast %jit3A_184 : f32 to vector<256x128xf32>
    %select_n3A_186 = arith.select %eq3A_183, %broadcast_in_dim3A_185, %slice3A_52 : vector<256x128xi1>, vector<256x128xf32>
    %eq3A_187 = arith.cmpf oeq, %slice3A_53, %min3A_89 : vector<256x128xf32>
    %jit3A_188 = arith.constant 0x7F800000 : f32
    %broadcast_in_dim3A_189 = vector.broadcast %jit3A_188 : f32 to vector<256x128xf32>
    %select_n3A_190 = arith.select %eq3A_187, %broadcast_in_dim3A_189, %slice3A_53 : vector<256x128xi1>, vector<256x128xf32>
    %eq3A_191 = arith.cmpf oeq, %slice3A_54, %min3A_89 : vector<256x128xf32>
    %jit3A_192 = arith.constant 0x7F800000 : f32
    %broadcast_in_dim3A_193 = vector.broadcast %jit3A_192 : f32 to vector<256x128xf32>
    %select_n3A_194 = arith.select %eq3A_191, %broadcast_in_dim3A_193, %slice3A_54 : vector<256x128xi1>, vector<256x128xf32>
    %eq3A_195 = arith.cmpf oeq, %slice3A_55, %min3A_89 : vector<256x128xf32>
    %jit3A_196 = arith.constant 0x7F800000 : f32
    %broadcast_in_dim3A_197 = vector.broadcast %jit3A_196 : f32 to vector<256x128xf32>
    %select_n3A_198 = arith.select %eq3A_195, %broadcast_in_dim3A_197, %slice3A_55 : vector<256x128xi1>, vector<256x128xf32>
    %eq3A_199 = arith.cmpf oeq, %slice3A_56, %min3A_89 : vector<256x128xf32>
    %jit3A_200 = arith.constant 0x7F800000 : f32
    %broadcast_in_dim3A_201 = vector.broadcast %jit3A_200 : f32 to vector<256x128xf32>
    %select_n3A_202 = arith.select %eq3A_199, %broadcast_in_dim3A_201, %slice3A_56 : vector<256x128xi1>, vector<256x128xf32>
    %eq3A_203 = arith.cmpf oeq, %slice3A_57, %min3A_89 : vector<256x128xf32>
    %jit3A_204 = arith.constant 0x7F800000 : f32
    %broadcast_in_dim3A_205 = vector.broadcast %jit3A_204 : f32 to vector<256x128xf32>
    %select_n3A_206 = arith.select %eq3A_203, %broadcast_in_dim3A_205, %slice3A_57 : vector<256x128xi1>, vector<256x128xf32>
    %eq3A_207 = arith.cmpf oeq, %slice3A_58, %min3A_89 : vector<256x128xf32>
    %jit3A_208 = arith.constant 0x7F800000 : f32
    %broadcast_in_dim3A_209 = vector.broadcast %jit3A_208 : f32 to vector<256x128xf32>
    %select_n3A_210 = arith.select %eq3A_207, %broadcast_in_dim3A_209, %slice3A_58 : vector<256x128xi1>, vector<256x128xf32>
    %eq3A_211 = arith.cmpf oeq, %slice3A_59, %min3A_89 : vector<256x128xf32>
    %jit3A_212 = arith.constant 0x7F800000 : f32
    %broadcast_in_dim3A_213 = vector.broadcast %jit3A_212 : f32 to vector<256x128xf32>
    %select_n3A_214 = arith.select %eq3A_211, %broadcast_in_dim3A_213, %slice3A_59 : vector<256x128xi1>, vector<256x128xf32>
    %min3A_215 = arith.minimumf %select_n3A, %select_n3A_94 : vector<256x128xf32>
    %min3A_216 = arith.minimumf %select_n3A_98, %select_n3A_102 : vector<256x128xf32>
    %min3A_217 = arith.minimumf %select_n3A_106, %select_n3A_110 : vector<256x128xf32>
    %min3A_218 = arith.minimumf %select_n3A_114, %select_n3A_118 : vector<256x128xf32>
    %min3A_219 = arith.minimumf %select_n3A_122, %select_n3A_126 : vector<256x128xf32>
    %min3A_220 = arith.minimumf %select_n3A_130, %select_n3A_134 : vector<256x128xf32>
    %min3A_221 = arith.minimumf %select_n3A_138, %select_n3A_142 : vector<256x128xf32>
    %min3A_222 = arith.minimumf %select_n3A_146, %select_n3A_150 : vector<256x128xf32>
    %min3A_223 = arith.minimumf %select_n3A_154, %select_n3A_158 : vector<256x128xf32>
    %min3A_224 = arith.minimumf %select_n3A_162, %select_n3A_166 : vector<256x128xf32>
    %min3A_225 = arith.minimumf %select_n3A_170, %select_n3A_174 : vector<256x128xf32>
    %min3A_226 = arith.minimumf %select_n3A_178, %select_n3A_182 : vector<256x128xf32>
    %min3A_227 = arith.minimumf %select_n3A_186, %select_n3A_190 : vector<256x128xf32>
    %min3A_228 = arith.minimumf %select_n3A_194, %select_n3A_198 : vector<256x128xf32>
    %min3A_229 = arith.minimumf %select_n3A_202, %select_n3A_206 : vector<256x128xf32>
    %min3A_230 = arith.minimumf %select_n3A_210, %select_n3A_214 : vector<256x128xf32>
    %min3A_231 = arith.minimumf %min3A_215, %min3A_216 : vector<256x128xf32>
    %min3A_232 = arith.minimumf %min3A_217, %min3A_218 : vector<256x128xf32>
    %min3A_233 = arith.minimumf %min3A_219, %min3A_220 : vector<256x128xf32>
    %min3A_234 = arith.minimumf %min3A_221, %min3A_222 : vector<256x128xf32>
    %min3A_235 = arith.minimumf %min3A_223, %min3A_224 : vector<256x128xf32>
    %min3A_236 = arith.minimumf %min3A_225, %min3A_226 : vector<256x128xf32>
    %min3A_237 = arith.minimumf %min3A_227, %min3A_228 : vector<256x128xf32>
    %min3A_238 = arith.minimumf %min3A_229, %min3A_230 : vector<256x128xf32>
    %min3A_239 = arith.minimumf %min3A_231, %min3A_232 : vector<256x128xf32>
    %min3A_240 = arith.minimumf %min3A_233, %min3A_234 : vector<256x128xf32>
    %min3A_241 = arith.minimumf %min3A_235, %min3A_236 : vector<256x128xf32>
    %min3A_242 = arith.minimumf %min3A_237, %min3A_238 : vector<256x128xf32>
    %min3A_243 = arith.minimumf %min3A_239, %min3A_240 : vector<256x128xf32>
    %min3A_244 = arith.minimumf %min3A_241, %min3A_242 : vector<256x128xf32>
    %min3A_245 = arith.minimumf %min3A_243, %min3A_244 : vector<256x128xf32>
    %eq3A_246 = arith.cmpf oeq, %select_n3A, %min3A_245 : vector<256x128xf32>
    %jit3A_247 = arith.constant 0x7F800000 : f32
    %broadcast_in_dim3A_248 = vector.broadcast %jit3A_247 : f32 to vector<256x128xf32>
    %select_n3A_249 = arith.select %eq3A_246, %broadcast_in_dim3A_248, %select_n3A : vector<256x128xi1>, vector<256x128xf32>
    %eq3A_250 = arith.cmpf oeq, %select_n3A_94, %min3A_245 : vector<256x128xf32>
    %jit3A_251 = arith.constant 0x7F800000 : f32
    %broadcast_in_dim3A_252 = vector.broadcast %jit3A_251 : f32 to vector<256x128xf32>
    %select_n3A_253 = arith.select %eq3A_250, %broadcast_in_dim3A_252, %select_n3A_94 : vector<256x128xi1>, vector<256x128xf32>
    %eq3A_254 = arith.cmpf oeq, %select_n3A_98, %min3A_245 : vector<256x128xf32>
    %jit3A_255 = arith.constant 0x7F800000 : f32
    %broadcast_in_dim3A_256 = vector.broadcast %jit3A_255 : f32 to vector<256x128xf32>
    %select_n3A_257 = arith.select %eq3A_254, %broadcast_in_dim3A_256, %select_n3A_98 : vector<256x128xi1>, vector<256x128xf32>
    %eq3A_258 = arith.cmpf oeq, %select_n3A_102, %min3A_245 : vector<256x128xf32>
    %jit3A_259 = arith.constant 0x7F800000 : f32
    %broadcast_in_dim3A_260 = vector.broadcast %jit3A_259 : f32 to vector<256x128xf32>
    %select_n3A_261 = arith.select %eq3A_258, %broadcast_in_dim3A_260, %select_n3A_102 : vector<256x128xi1>, vector<256x128xf32>
    %eq3A_262 = arith.cmpf oeq, %select_n3A_106, %min3A_245 : vector<256x128xf32>
    %jit3A_263 = arith.constant 0x7F800000 : f32
    %broadcast_in_dim3A_264 = vector.broadcast %jit3A_263 : f32 to vector<256x128xf32>
    %select_n3A_265 = arith.select %eq3A_262, %broadcast_in_dim3A_264, %select_n3A_106 : vector<256x128xi1>, vector<256x128xf32>
    %eq3A_266 = arith.cmpf oeq, %select_n3A_110, %min3A_245 : vector<256x128xf32>
    %jit3A_267 = arith.constant 0x7F800000 : f32
    %broadcast_in_dim3A_268 = vector.broadcast %jit3A_267 : f32 to vector<256x128xf32>
    %select_n3A_269 = arith.select %eq3A_266, %broadcast_in_dim3A_268, %select_n3A_110 : vector<256x128xi1>, vector<256x128xf32>
    %eq3A_270 = arith.cmpf oeq, %select_n3A_114, %min3A_245 : vector<256x128xf32>
    %jit3A_271 = arith.constant 0x7F800000 : f32
    %broadcast_in_dim3A_272 = vector.broadcast %jit3A_271 : f32 to vector<256x128xf32>
    %select_n3A_273 = arith.select %eq3A_270, %broadcast_in_dim3A_272, %select_n3A_114 : vector<256x128xi1>, vector<256x128xf32>
    %eq3A_274 = arith.cmpf oeq, %select_n3A_118, %min3A_245 : vector<256x128xf32>
    %jit3A_275 = arith.constant 0x7F800000 : f32
    %broadcast_in_dim3A_276 = vector.broadcast %jit3A_275 : f32 to vector<256x128xf32>
    %select_n3A_277 = arith.select %eq3A_274, %broadcast_in_dim3A_276, %select_n3A_118 : vector<256x128xi1>, vector<256x128xf32>
    %eq3A_278 = arith.cmpf oeq, %select_n3A_122, %min3A_245 : vector<256x128xf32>
    %jit3A_279 = arith.constant 0x7F800000 : f32
    %broadcast_in_dim3A_280 = vector.broadcast %jit3A_279 : f32 to vector<256x128xf32>
    %select_n3A_281 = arith.select %eq3A_278, %broadcast_in_dim3A_280, %select_n3A_122 : vector<256x128xi1>, vector<256x128xf32>
    %eq3A_282 = arith.cmpf oeq, %select_n3A_126, %min3A_245 : vector<256x128xf32>
    %jit3A_283 = arith.constant 0x7F800000 : f32
    %broadcast_in_dim3A_284 = vector.broadcast %jit3A_283 : f32 to vector<256x128xf32>
    %select_n3A_285 = arith.select %eq3A_282, %broadcast_in_dim3A_284, %select_n3A_126 : vector<256x128xi1>, vector<256x128xf32>
    %eq3A_286 = arith.cmpf oeq, %select_n3A_130, %min3A_245 : vector<256x128xf32>
    %jit3A_287 = arith.constant 0x7F800000 : f32
    %broadcast_in_dim3A_288 = vector.broadcast %jit3A_287 : f32 to vector<256x128xf32>
    %select_n3A_289 = arith.select %eq3A_286, %broadcast_in_dim3A_288, %select_n3A_130 : vector<256x128xi1>, vector<256x128xf32>
    %eq3A_290 = arith.cmpf oeq, %select_n3A_134, %min3A_245 : vector<256x128xf32>
    %jit3A_291 = arith.constant 0x7F800000 : f32
    %broadcast_in_dim3A_292 = vector.broadcast %jit3A_291 : f32 to vector<256x128xf32>
    %select_n3A_293 = arith.select %eq3A_290, %broadcast_in_dim3A_292, %select_n3A_134 : vector<256x128xi1>, vector<256x128xf32>
    %eq3A_294 = arith.cmpf oeq, %select_n3A_138, %min3A_245 : vector<256x128xf32>
    %jit3A_295 = arith.constant 0x7F800000 : f32
    %broadcast_in_dim3A_296 = vector.broadcast %jit3A_295 : f32 to vector<256x128xf32>
    %select_n3A_297 = arith.select %eq3A_294, %broadcast_in_dim3A_296, %select_n3A_138 : vector<256x128xi1>, vector<256x128xf32>
    %eq3A_298 = arith.cmpf oeq, %select_n3A_142, %min3A_245 : vector<256x128xf32>
    %jit3A_299 = arith.constant 0x7F800000 : f32
    %broadcast_in_dim3A_300 = vector.broadcast %jit3A_299 : f32 to vector<256x128xf32>
    %select_n3A_301 = arith.select %eq3A_298, %broadcast_in_dim3A_300, %select_n3A_142 : vector<256x128xi1>, vector<256x128xf32>
    %eq3A_302 = arith.cmpf oeq, %select_n3A_146, %min3A_245 : vector<256x128xf32>
    %jit3A_303 = arith.constant 0x7F800000 : f32
    %broadcast_in_dim3A_304 = vector.broadcast %jit3A_303 : f32 to vector<256x128xf32>
    %select_n3A_305 = arith.select %eq3A_302, %broadcast_in_dim3A_304, %select_n3A_146 : vector<256x128xi1>, vector<256x128xf32>
    %eq3A_306 = arith.cmpf oeq, %select_n3A_150, %min3A_245 : vector<256x128xf32>
    %jit3A_307 = arith.constant 0x7F800000 : f32
    %broadcast_in_dim3A_308 = vector.broadcast %jit3A_307 : f32 to vector<256x128xf32>
    %select_n3A_309 = arith.select %eq3A_306, %broadcast_in_dim3A_308, %select_n3A_150 : vector<256x128xi1>, vector<256x128xf32>
    %eq3A_310 = arith.cmpf oeq, %select_n3A_154, %min3A_245 : vector<256x128xf32>
    %jit3A_311 = arith.constant 0x7F800000 : f32
    %broadcast_in_dim3A_312 = vector.broadcast %jit3A_311 : f32 to vector<256x128xf32>
    %select_n3A_313 = arith.select %eq3A_310, %broadcast_in_dim3A_312, %select_n3A_154 : vector<256x128xi1>, vector<256x128xf32>
    %eq3A_314 = arith.cmpf oeq, %select_n3A_158, %min3A_245 : vector<256x128xf32>
    %jit3A_315 = arith.constant 0x7F800000 : f32
    %broadcast_in_dim3A_316 = vector.broadcast %jit3A_315 : f32 to vector<256x128xf32>
    %select_n3A_317 = arith.select %eq3A_314, %broadcast_in_dim3A_316, %select_n3A_158 : vector<256x128xi1>, vector<256x128xf32>
    %eq3A_318 = arith.cmpf oeq, %select_n3A_162, %min3A_245 : vector<256x128xf32>
    %jit3A_319 = arith.constant 0x7F800000 : f32
    %broadcast_in_dim3A_320 = vector.broadcast %jit3A_319 : f32 to vector<256x128xf32>
    %select_n3A_321 = arith.select %eq3A_318, %broadcast_in_dim3A_320, %select_n3A_162 : vector<256x128xi1>, vector<256x128xf32>
    %eq3A_322 = arith.cmpf oeq, %select_n3A_166, %min3A_245 : vector<256x128xf32>
    %jit3A_323 = arith.constant 0x7F800000 : f32
    %broadcast_in_dim3A_324 = vector.broadcast %jit3A_323 : f32 to vector<256x128xf32>
    %select_n3A_325 = arith.select %eq3A_322, %broadcast_in_dim3A_324, %select_n3A_166 : vector<256x128xi1>, vector<256x128xf32>
    %eq3A_326 = arith.cmpf oeq, %select_n3A_170, %min3A_245 : vector<256x128xf32>
    %jit3A_327 = arith.constant 0x7F800000 : f32
    %broadcast_in_dim3A_328 = vector.broadcast %jit3A_327 : f32 to vector<256x128xf32>
    %select_n3A_329 = arith.select %eq3A_326, %broadcast_in_dim3A_328, %select_n3A_170 : vector<256x128xi1>, vector<256x128xf32>
    %eq3A_330 = arith.cmpf oeq, %select_n3A_174, %min3A_245 : vector<256x128xf32>
    %jit3A_331 = arith.constant 0x7F800000 : f32
    %broadcast_in_dim3A_332 = vector.broadcast %jit3A_331 : f32 to vector<256x128xf32>
    %select_n3A_333 = arith.select %eq3A_330, %broadcast_in_dim3A_332, %select_n3A_174 : vector<256x128xi1>, vector<256x128xf32>
    %eq3A_334 = arith.cmpf oeq, %select_n3A_178, %min3A_245 : vector<256x128xf32>
    %jit3A_335 = arith.constant 0x7F800000 : f32
    %broadcast_in_dim3A_336 = vector.broadcast %jit3A_335 : f32 to vector<256x128xf32>
    %select_n3A_337 = arith.select %eq3A_334, %broadcast_in_dim3A_336, %select_n3A_178 : vector<256x128xi1>, vector<256x128xf32>
    %eq3A_338 = arith.cmpf oeq, %select_n3A_182, %min3A_245 : vector<256x128xf32>
    %jit3A_339 = arith.constant 0x7F800000 : f32
    %broadcast_in_dim3A_340 = vector.broadcast %jit3A_339 : f32 to vector<256x128xf32>
    %select_n3A_341 = arith.select %eq3A_338, %broadcast_in_dim3A_340, %select_n3A_182 : vector<256x128xi1>, vector<256x128xf32>
    %eq3A_342 = arith.cmpf oeq, %select_n3A_186, %min3A_245 : vector<256x128xf32>
    %jit3A_343 = arith.constant 0x7F800000 : f32
    %broadcast_in_dim3A_344 = vector.broadcast %jit3A_343 : f32 to vector<256x128xf32>
    %select_n3A_345 = arith.select %eq3A_342, %broadcast_in_dim3A_344, %select_n3A_186 : vector<256x128xi1>, vector<256x128xf32>
    %eq3A_346 = arith.cmpf oeq, %select_n3A_190, %min3A_245 : vector<256x128xf32>
    %jit3A_347 = arith.constant 0x7F800000 : f32
    %broadcast_in_dim3A_348 = vector.broadcast %jit3A_347 : f32 to vector<256x128xf32>
    %select_n3A_349 = arith.select %eq3A_346, %broadcast_in_dim3A_348, %select_n3A_190 : vector<256x128xi1>, vector<256x128xf32>
    %eq3A_350 = arith.cmpf oeq, %select_n3A_194, %min3A_245 : vector<256x128xf32>
    %jit3A_351 = arith.constant 0x7F800000 : f32
    %broadcast_in_dim3A_352 = vector.broadcast %jit3A_351 : f32 to vector<256x128xf32>
    %select_n3A_353 = arith.select %eq3A_350, %broadcast_in_dim3A_352, %select_n3A_194 : vector<256x128xi1>, vector<256x128xf32>
    %eq3A_354 = arith.cmpf oeq, %select_n3A_198, %min3A_245 : vector<256x128xf32>
    %jit3A_355 = arith.constant 0x7F800000 : f32
    %broadcast_in_dim3A_356 = vector.broadcast %jit3A_355 : f32 to vector<256x128xf32>
    %select_n3A_357 = arith.select %eq3A_354, %broadcast_in_dim3A_356, %select_n3A_198 : vector<256x128xi1>, vector<256x128xf32>
    %eq3A_358 = arith.cmpf oeq, %select_n3A_202, %min3A_245 : vector<256x128xf32>
    %jit3A_359 = arith.constant 0x7F800000 : f32
    %broadcast_in_dim3A_360 = vector.broadcast %jit3A_359 : f32 to vector<256x128xf32>
    %select_n3A_361 = arith.select %eq3A_358, %broadcast_in_dim3A_360, %select_n3A_202 : vector<256x128xi1>, vector<256x128xf32>
    %eq3A_362 = arith.cmpf oeq, %select_n3A_206, %min3A_245 : vector<256x128xf32>
    %jit3A_363 = arith.constant 0x7F800000 : f32
    %broadcast_in_dim3A_364 = vector.broadcast %jit3A_363 : f32 to vector<256x128xf32>
    %select_n3A_365 = arith.select %eq3A_362, %broadcast_in_dim3A_364, %select_n3A_206 : vector<256x128xi1>, vector<256x128xf32>
    %eq3A_366 = arith.cmpf oeq, %select_n3A_210, %min3A_245 : vector<256x128xf32>
    %jit3A_367 = arith.constant 0x7F800000 : f32
    %broadcast_in_dim3A_368 = vector.broadcast %jit3A_367 : f32 to vector<256x128xf32>
    %select_n3A_369 = arith.select %eq3A_366, %broadcast_in_dim3A_368, %select_n3A_210 : vector<256x128xi1>, vector<256x128xf32>
    %eq3A_370 = arith.cmpf oeq, %select_n3A_214, %min3A_245 : vector<256x128xf32>
    %jit3A_371 = arith.constant 0x7F800000 : f32
    %broadcast_in_dim3A_372 = vector.broadcast %jit3A_371 : f32 to vector<256x128xf32>
    %select_n3A_373 = arith.select %eq3A_370, %broadcast_in_dim3A_372, %select_n3A_214 : vector<256x128xi1>, vector<256x128xf32>
    %min3A_374 = arith.minimumf %select_n3A_249, %select_n3A_253 : vector<256x128xf32>
    %min3A_375 = arith.minimumf %select_n3A_257, %select_n3A_261 : vector<256x128xf32>
    %min3A_376 = arith.minimumf %select_n3A_265, %select_n3A_269 : vector<256x128xf32>
    %min3A_377 = arith.minimumf %select_n3A_273, %select_n3A_277 : vector<256x128xf32>
    %min3A_378 = arith.minimumf %select_n3A_281, %select_n3A_285 : vector<256x128xf32>
    %min3A_379 = arith.minimumf %select_n3A_289, %select_n3A_293 : vector<256x128xf32>
    %min3A_380 = arith.minimumf %select_n3A_297, %select_n3A_301 : vector<256x128xf32>
    %min3A_381 = arith.minimumf %select_n3A_305, %select_n3A_309 : vector<256x128xf32>
    %min3A_382 = arith.minimumf %select_n3A_313, %select_n3A_317 : vector<256x128xf32>
    %min3A_383 = arith.minimumf %select_n3A_321, %select_n3A_325 : vector<256x128xf32>
    %min3A_384 = arith.minimumf %select_n3A_329, %select_n3A_333 : vector<256x128xf32>
    %min3A_385 = arith.minimumf %select_n3A_337, %select_n3A_341 : vector<256x128xf32>
    %min3A_386 = arith.minimumf %select_n3A_345, %select_n3A_349 : vector<256x128xf32>
    %min3A_387 = arith.minimumf %select_n3A_353, %select_n3A_357 : vector<256x128xf32>
    %min3A_388 = arith.minimumf %select_n3A_361, %select_n3A_365 : vector<256x128xf32>
    %min3A_389 = arith.minimumf %select_n3A_369, %select_n3A_373 : vector<256x128xf32>
    %min3A_390 = arith.minimumf %min3A_374, %min3A_375 : vector<256x128xf32>
    %min3A_391 = arith.minimumf %min3A_376, %min3A_377 : vector<256x128xf32>
    %min3A_392 = arith.minimumf %min3A_378, %min3A_379 : vector<256x128xf32>
    %min3A_393 = arith.minimumf %min3A_380, %min3A_381 : vector<256x128xf32>
    %min3A_394 = arith.minimumf %min3A_382, %min3A_383 : vector<256x128xf32>
    %min3A_395 = arith.minimumf %min3A_384, %min3A_385 : vector<256x128xf32>
    %min3A_396 = arith.minimumf %min3A_386, %min3A_387 : vector<256x128xf32>
    %min3A_397 = arith.minimumf %min3A_388, %min3A_389 : vector<256x128xf32>
    %min3A_398 = arith.minimumf %min3A_390, %min3A_391 : vector<256x128xf32>
    %min3A_399 = arith.minimumf %min3A_392, %min3A_393 : vector<256x128xf32>
    %min3A_400 = arith.minimumf %min3A_394, %min3A_395 : vector<256x128xf32>
    %min3A_401 = arith.minimumf %min3A_396, %min3A_397 : vector<256x128xf32>
    %min3A_402 = arith.minimumf %min3A_398, %min3A_399 : vector<256x128xf32>
    %min3A_403 = arith.minimumf %min3A_400, %min3A_401 : vector<256x128xf32>
    %min3A_404 = arith.minimumf %min3A_402, %min3A_403 : vector<256x128xf32>
    %eq3A_405 = arith.cmpf oeq, %select_n3A_249, %min3A_404 : vector<256x128xf32>
    %jit3A_406 = arith.constant 0x7F800000 : f32
    %broadcast_in_dim3A_407 = vector.broadcast %jit3A_406 : f32 to vector<256x128xf32>
    %select_n3A_408 = arith.select %eq3A_405, %broadcast_in_dim3A_407, %select_n3A_249 : vector<256x128xi1>, vector<256x128xf32>
    %eq3A_409 = arith.cmpf oeq, %select_n3A_253, %min3A_404 : vector<256x128xf32>
    %jit3A_410 = arith.constant 0x7F800000 : f32
    %broadcast_in_dim3A_411 = vector.broadcast %jit3A_410 : f32 to vector<256x128xf32>
    %select_n3A_412 = arith.select %eq3A_409, %broadcast_in_dim3A_411, %select_n3A_253 : vector<256x128xi1>, vector<256x128xf32>
    %eq3A_413 = arith.cmpf oeq, %select_n3A_257, %min3A_404 : vector<256x128xf32>
    %jit3A_414 = arith.constant 0x7F800000 : f32
    %broadcast_in_dim3A_415 = vector.broadcast %jit3A_414 : f32 to vector<256x128xf32>
    %select_n3A_416 = arith.select %eq3A_413, %broadcast_in_dim3A_415, %select_n3A_257 : vector<256x128xi1>, vector<256x128xf32>
    %eq3A_417 = arith.cmpf oeq, %select_n3A_261, %min3A_404 : vector<256x128xf32>
    %jit3A_418 = arith.constant 0x7F800000 : f32
    %broadcast_in_dim3A_419 = vector.broadcast %jit3A_418 : f32 to vector<256x128xf32>
    %select_n3A_420 = arith.select %eq3A_417, %broadcast_in_dim3A_419, %select_n3A_261 : vector<256x128xi1>, vector<256x128xf32>
    %eq3A_421 = arith.cmpf oeq, %select_n3A_265, %min3A_404 : vector<256x128xf32>
    %jit3A_422 = arith.constant 0x7F800000 : f32
    %broadcast_in_dim3A_423 = vector.broadcast %jit3A_422 : f32 to vector<256x128xf32>
    %select_n3A_424 = arith.select %eq3A_421, %broadcast_in_dim3A_423, %select_n3A_265 : vector<256x128xi1>, vector<256x128xf32>
    %eq3A_425 = arith.cmpf oeq, %select_n3A_269, %min3A_404 : vector<256x128xf32>
    %jit3A_426 = arith.constant 0x7F800000 : f32
    %broadcast_in_dim3A_427 = vector.broadcast %jit3A_426 : f32 to vector<256x128xf32>
    %select_n3A_428 = arith.select %eq3A_425, %broadcast_in_dim3A_427, %select_n3A_269 : vector<256x128xi1>, vector<256x128xf32>
    %eq3A_429 = arith.cmpf oeq, %select_n3A_273, %min3A_404 : vector<256x128xf32>
    %jit3A_430 = arith.constant 0x7F800000 : f32
    %broadcast_in_dim3A_431 = vector.broadcast %jit3A_430 : f32 to vector<256x128xf32>
    %select_n3A_432 = arith.select %eq3A_429, %broadcast_in_dim3A_431, %select_n3A_273 : vector<256x128xi1>, vector<256x128xf32>
    %eq3A_433 = arith.cmpf oeq, %select_n3A_277, %min3A_404 : vector<256x128xf32>
    %jit3A_434 = arith.constant 0x7F800000 : f32
    %broadcast_in_dim3A_435 = vector.broadcast %jit3A_434 : f32 to vector<256x128xf32>
    %select_n3A_436 = arith.select %eq3A_433, %broadcast_in_dim3A_435, %select_n3A_277 : vector<256x128xi1>, vector<256x128xf32>
    %eq3A_437 = arith.cmpf oeq, %select_n3A_281, %min3A_404 : vector<256x128xf32>
    %jit3A_438 = arith.constant 0x7F800000 : f32
    %broadcast_in_dim3A_439 = vector.broadcast %jit3A_438 : f32 to vector<256x128xf32>
    %select_n3A_440 = arith.select %eq3A_437, %broadcast_in_dim3A_439, %select_n3A_281 : vector<256x128xi1>, vector<256x128xf32>
    %eq3A_441 = arith.cmpf oeq, %select_n3A_285, %min3A_404 : vector<256x128xf32>
    %jit3A_442 = arith.constant 0x7F800000 : f32
    %broadcast_in_dim3A_443 = vector.broadcast %jit3A_442 : f32 to vector<256x128xf32>
    %select_n3A_444 = arith.select %eq3A_441, %broadcast_in_dim3A_443, %select_n3A_285 : vector<256x128xi1>, vector<256x128xf32>
    %eq3A_445 = arith.cmpf oeq, %select_n3A_289, %min3A_404 : vector<256x128xf32>
    %jit3A_446 = arith.constant 0x7F800000 : f32
    %broadcast_in_dim3A_447 = vector.broadcast %jit3A_446 : f32 to vector<256x128xf32>
    %select_n3A_448 = arith.select %eq3A_445, %broadcast_in_dim3A_447, %select_n3A_289 : vector<256x128xi1>, vector<256x128xf32>
    %eq3A_449 = arith.cmpf oeq, %select_n3A_293, %min3A_404 : vector<256x128xf32>
    %jit3A_450 = arith.constant 0x7F800000 : f32
    %broadcast_in_dim3A_451 = vector.broadcast %jit3A_450 : f32 to vector<256x128xf32>
    %select_n3A_452 = arith.select %eq3A_449, %broadcast_in_dim3A_451, %select_n3A_293 : vector<256x128xi1>, vector<256x128xf32>
    %eq3A_453 = arith.cmpf oeq, %select_n3A_297, %min3A_404 : vector<256x128xf32>
    %jit3A_454 = arith.constant 0x7F800000 : f32
    %broadcast_in_dim3A_455 = vector.broadcast %jit3A_454 : f32 to vector<256x128xf32>
    %select_n3A_456 = arith.select %eq3A_453, %broadcast_in_dim3A_455, %select_n3A_297 : vector<256x128xi1>, vector<256x128xf32>
    %eq3A_457 = arith.cmpf oeq, %select_n3A_301, %min3A_404 : vector<256x128xf32>
    %jit3A_458 = arith.constant 0x7F800000 : f32
    %broadcast_in_dim3A_459 = vector.broadcast %jit3A_458 : f32 to vector<256x128xf32>
    %select_n3A_460 = arith.select %eq3A_457, %broadcast_in_dim3A_459, %select_n3A_301 : vector<256x128xi1>, vector<256x128xf32>
    %eq3A_461 = arith.cmpf oeq, %select_n3A_305, %min3A_404 : vector<256x128xf32>
    %jit3A_462 = arith.constant 0x7F800000 : f32
    %broadcast_in_dim3A_463 = vector.broadcast %jit3A_462 : f32 to vector<256x128xf32>
    %select_n3A_464 = arith.select %eq3A_461, %broadcast_in_dim3A_463, %select_n3A_305 : vector<256x128xi1>, vector<256x128xf32>
    %eq3A_465 = arith.cmpf oeq, %select_n3A_309, %min3A_404 : vector<256x128xf32>
    %jit3A_466 = arith.constant 0x7F800000 : f32
    %broadcast_in_dim3A_467 = vector.broadcast %jit3A_466 : f32 to vector<256x128xf32>
    %select_n3A_468 = arith.select %eq3A_465, %broadcast_in_dim3A_467, %select_n3A_309 : vector<256x128xi1>, vector<256x128xf32>
    %eq3A_469 = arith.cmpf oeq, %select_n3A_313, %min3A_404 : vector<256x128xf32>
    %jit3A_470 = arith.constant 0x7F800000 : f32
    %broadcast_in_dim3A_471 = vector.broadcast %jit3A_470 : f32 to vector<256x128xf32>
    %select_n3A_472 = arith.select %eq3A_469, %broadcast_in_dim3A_471, %select_n3A_313 : vector<256x128xi1>, vector<256x128xf32>
    %eq3A_473 = arith.cmpf oeq, %select_n3A_317, %min3A_404 : vector<256x128xf32>
    %jit3A_474 = arith.constant 0x7F800000 : f32
    %broadcast_in_dim3A_475 = vector.broadcast %jit3A_474 : f32 to vector<256x128xf32>
    %select_n3A_476 = arith.select %eq3A_473, %broadcast_in_dim3A_475, %select_n3A_317 : vector<256x128xi1>, vector<256x128xf32>
    %eq3A_477 = arith.cmpf oeq, %select_n3A_321, %min3A_404 : vector<256x128xf32>
    %jit3A_478 = arith.constant 0x7F800000 : f32
    %broadcast_in_dim3A_479 = vector.broadcast %jit3A_478 : f32 to vector<256x128xf32>
    %select_n3A_480 = arith.select %eq3A_477, %broadcast_in_dim3A_479, %select_n3A_321 : vector<256x128xi1>, vector<256x128xf32>
    %eq3A_481 = arith.cmpf oeq, %select_n3A_325, %min3A_404 : vector<256x128xf32>
    %jit3A_482 = arith.constant 0x7F800000 : f32
    %broadcast_in_dim3A_483 = vector.broadcast %jit3A_482 : f32 to vector<256x128xf32>
    %select_n3A_484 = arith.select %eq3A_481, %broadcast_in_dim3A_483, %select_n3A_325 : vector<256x128xi1>, vector<256x128xf32>
    %eq3A_485 = arith.cmpf oeq, %select_n3A_329, %min3A_404 : vector<256x128xf32>
    %jit3A_486 = arith.constant 0x7F800000 : f32
    %broadcast_in_dim3A_487 = vector.broadcast %jit3A_486 : f32 to vector<256x128xf32>
    %select_n3A_488 = arith.select %eq3A_485, %broadcast_in_dim3A_487, %select_n3A_329 : vector<256x128xi1>, vector<256x128xf32>
    %eq3A_489 = arith.cmpf oeq, %select_n3A_333, %min3A_404 : vector<256x128xf32>
    %jit3A_490 = arith.constant 0x7F800000 : f32
    %broadcast_in_dim3A_491 = vector.broadcast %jit3A_490 : f32 to vector<256x128xf32>
    %select_n3A_492 = arith.select %eq3A_489, %broadcast_in_dim3A_491, %select_n3A_333 : vector<256x128xi1>, vector<256x128xf32>
    %eq3A_493 = arith.cmpf oeq, %select_n3A_337, %min3A_404 : vector<256x128xf32>
    %jit3A_494 = arith.constant 0x7F800000 : f32
    %broadcast_in_dim3A_495 = vector.broadcast %jit3A_494 : f32 to vector<256x128xf32>
    %select_n3A_496 = arith.select %eq3A_493, %broadcast_in_dim3A_495, %select_n3A_337 : vector<256x128xi1>, vector<256x128xf32>
    %eq3A_497 = arith.cmpf oeq, %select_n3A_341, %min3A_404 : vector<256x128xf32>
    %jit3A_498 = arith.constant 0x7F800000 : f32
    %broadcast_in_dim3A_499 = vector.broadcast %jit3A_498 : f32 to vector<256x128xf32>
    %select_n3A_500 = arith.select %eq3A_497, %broadcast_in_dim3A_499, %select_n3A_341 : vector<256x128xi1>, vector<256x128xf32>
    %eq3A_501 = arith.cmpf oeq, %select_n3A_345, %min3A_404 : vector<256x128xf32>
    %jit3A_502 = arith.constant 0x7F800000 : f32
    %broadcast_in_dim3A_503 = vector.broadcast %jit3A_502 : f32 to vector<256x128xf32>
    %select_n3A_504 = arith.select %eq3A_501, %broadcast_in_dim3A_503, %select_n3A_345 : vector<256x128xi1>, vector<256x128xf32>
    %eq3A_505 = arith.cmpf oeq, %select_n3A_349, %min3A_404 : vector<256x128xf32>
    %jit3A_506 = arith.constant 0x7F800000 : f32
    %broadcast_in_dim3A_507 = vector.broadcast %jit3A_506 : f32 to vector<256x128xf32>
    %select_n3A_508 = arith.select %eq3A_505, %broadcast_in_dim3A_507, %select_n3A_349 : vector<256x128xi1>, vector<256x128xf32>
    %eq3A_509 = arith.cmpf oeq, %select_n3A_353, %min3A_404 : vector<256x128xf32>
    %jit3A_510 = arith.constant 0x7F800000 : f32
    %broadcast_in_dim3A_511 = vector.broadcast %jit3A_510 : f32 to vector<256x128xf32>
    %select_n3A_512 = arith.select %eq3A_509, %broadcast_in_dim3A_511, %select_n3A_353 : vector<256x128xi1>, vector<256x128xf32>
    %eq3A_513 = arith.cmpf oeq, %select_n3A_357, %min3A_404 : vector<256x128xf32>
    %jit3A_514 = arith.constant 0x7F800000 : f32
    %broadcast_in_dim3A_515 = vector.broadcast %jit3A_514 : f32 to vector<256x128xf32>
    %select_n3A_516 = arith.select %eq3A_513, %broadcast_in_dim3A_515, %select_n3A_357 : vector<256x128xi1>, vector<256x128xf32>
    %eq3A_517 = arith.cmpf oeq, %select_n3A_361, %min3A_404 : vector<256x128xf32>
    %jit3A_518 = arith.constant 0x7F800000 : f32
    %broadcast_in_dim3A_519 = vector.broadcast %jit3A_518 : f32 to vector<256x128xf32>
    %select_n3A_520 = arith.select %eq3A_517, %broadcast_in_dim3A_519, %select_n3A_361 : vector<256x128xi1>, vector<256x128xf32>
    %eq3A_521 = arith.cmpf oeq, %select_n3A_365, %min3A_404 : vector<256x128xf32>
    %jit3A_522 = arith.constant 0x7F800000 : f32
    %broadcast_in_dim3A_523 = vector.broadcast %jit3A_522 : f32 to vector<256x128xf32>
    %select_n3A_524 = arith.select %eq3A_521, %broadcast_in_dim3A_523, %select_n3A_365 : vector<256x128xi1>, vector<256x128xf32>
    %eq3A_525 = arith.cmpf oeq, %select_n3A_369, %min3A_404 : vector<256x128xf32>
    %jit3A_526 = arith.constant 0x7F800000 : f32
    %broadcast_in_dim3A_527 = vector.broadcast %jit3A_526 : f32 to vector<256x128xf32>
    %select_n3A_528 = arith.select %eq3A_525, %broadcast_in_dim3A_527, %select_n3A_369 : vector<256x128xi1>, vector<256x128xf32>
    %eq3A_529 = arith.cmpf oeq, %select_n3A_373, %min3A_404 : vector<256x128xf32>
    %jit3A_530 = arith.constant 0x7F800000 : f32
    %broadcast_in_dim3A_531 = vector.broadcast %jit3A_530 : f32 to vector<256x128xf32>
    %select_n3A_532 = arith.select %eq3A_529, %broadcast_in_dim3A_531, %select_n3A_373 : vector<256x128xi1>, vector<256x128xf32>
    %min3A_533 = arith.minimumf %select_n3A_408, %select_n3A_412 : vector<256x128xf32>
    %min3A_534 = arith.minimumf %select_n3A_416, %select_n3A_420 : vector<256x128xf32>
    %min3A_535 = arith.minimumf %select_n3A_424, %select_n3A_428 : vector<256x128xf32>
    %min3A_536 = arith.minimumf %select_n3A_432, %select_n3A_436 : vector<256x128xf32>
    %min3A_537 = arith.minimumf %select_n3A_440, %select_n3A_444 : vector<256x128xf32>
    %min3A_538 = arith.minimumf %select_n3A_448, %select_n3A_452 : vector<256x128xf32>
    %min3A_539 = arith.minimumf %select_n3A_456, %select_n3A_460 : vector<256x128xf32>
    %min3A_540 = arith.minimumf %select_n3A_464, %select_n3A_468 : vector<256x128xf32>
    %min3A_541 = arith.minimumf %select_n3A_472, %select_n3A_476 : vector<256x128xf32>
    %min3A_542 = arith.minimumf %select_n3A_480, %select_n3A_484 : vector<256x128xf32>
    %min3A_543 = arith.minimumf %select_n3A_488, %select_n3A_492 : vector<256x128xf32>
    %min3A_544 = arith.minimumf %select_n3A_496, %select_n3A_500 : vector<256x128xf32>
    %min3A_545 = arith.minimumf %select_n3A_504, %select_n3A_508 : vector<256x128xf32>
    %min3A_546 = arith.minimumf %select_n3A_512, %select_n3A_516 : vector<256x128xf32>
    %min3A_547 = arith.minimumf %select_n3A_520, %select_n3A_524 : vector<256x128xf32>
    %min3A_548 = arith.minimumf %select_n3A_528, %select_n3A_532 : vector<256x128xf32>
    %min3A_549 = arith.minimumf %min3A_533, %min3A_534 : vector<256x128xf32>
    %min3A_550 = arith.minimumf %min3A_535, %min3A_536 : vector<256x128xf32>
    %min3A_551 = arith.minimumf %min3A_537, %min3A_538 : vector<256x128xf32>
    %min3A_552 = arith.minimumf %min3A_539, %min3A_540 : vector<256x128xf32>
    %min3A_553 = arith.minimumf %min3A_541, %min3A_542 : vector<256x128xf32>
    %min3A_554 = arith.minimumf %min3A_543, %min3A_544 : vector<256x128xf32>
    %min3A_555 = arith.minimumf %min3A_545, %min3A_546 : vector<256x128xf32>
    %min3A_556 = arith.minimumf %min3A_547, %min3A_548 : vector<256x128xf32>
    %min3A_557 = arith.minimumf %min3A_549, %min3A_550 : vector<256x128xf32>
    %min3A_558 = arith.minimumf %min3A_551, %min3A_552 : vector<256x128xf32>
    %min3A_559 = arith.minimumf %min3A_553, %min3A_554 : vector<256x128xf32>
    %min3A_560 = arith.minimumf %min3A_555, %min3A_556 : vector<256x128xf32>
    %min3A_561 = arith.minimumf %min3A_557, %min3A_558 : vector<256x128xf32>
    %min3A_562 = arith.minimumf %min3A_559, %min3A_560 : vector<256x128xf32>
    %min3A_563 = arith.minimumf %min3A_561, %min3A_562 : vector<256x128xf32>
    %iota3A_564 = tpu.iota {dimensions = array<i32: 1>} : vector<256x128xi32>
    %convert_element_type3A = arith.sitofp %iota3A_564 : vector<256x128xi32> to vector<256x128xf32>
    %broadcast_in_dim3A_565 = arith.constant 0x7F800000 : f32
    %broadcast_in_dim3A_566 = vector.broadcast %broadcast_in_dim3A_565 : f32 to vector<256x128xf32>
    %reduce_min3A = arith.constant dense<0x7F800000> : vector<256xf32>
    %reduce_min3A_567 = vector.multi_reduction <minimumf>, %min3A_89, %reduce_min3A [1] : vector<256x128xf32> to vector<256xf32>
    %broadcast_in_dim3A_568 = vector.shape_cast %reduce_min3A_567 : vector<256xf32> to vector<256x1xf32>
    %eq3A_569 = vector.broadcast %broadcast_in_dim3A_568 : vector<256x1xf32> to vector<256x128xf32>
    %eq3A_570 = arith.cmpf oeq, %min3A_89, %eq3A_569 : vector<256x128xf32>
    %jit3A_571 = arith.constant 1.280000e+02 : f32
    %broadcast_in_dim3A_572 = vector.broadcast %jit3A_571 : f32 to vector<256x128xf32>
    %select_n3A_573 = arith.select %eq3A_570, %convert_element_type3A, %broadcast_in_dim3A_572 : vector<256x128xi1>, vector<256x128xf32>
    %reduce_min3A_574 = arith.constant dense<0x7F800000> : vector<256xf32>
    %reduce_min3A_575 = vector.multi_reduction <minimumf>, %select_n3A_573, %reduce_min3A_574 [1] : vector<256x128xf32> to vector<256xf32>
    %broadcast_in_dim3A_576 = vector.shape_cast %reduce_min3A_575 : vector<256xf32> to vector<256x1xf32>
    %eq3A_577 = vector.broadcast %broadcast_in_dim3A_576 : vector<256x1xf32> to vector<256x128xf32>
    %eq3A_578 = arith.cmpf oeq, %convert_element_type3A, %eq3A_577 : vector<256x128xf32>
    %select_n3A_579 = arith.select %eq3A_578, %min3A_245, %min3A_89 : vector<256x128xi1>, vector<256x128xf32>
    %select_n3A_580 = arith.select %eq3A_578, %min3A_404, %min3A_245 : vector<256x128xi1>, vector<256x128xf32>
    %select_n3A_581 = arith.select %eq3A_578, %min3A_563, %min3A_404 : vector<256x128xi1>, vector<256x128xf32>
    %select_n3A_582 = arith.select %eq3A_578, %broadcast_in_dim3A_566, %min3A_563 : vector<256x128xi1>, vector<256x128xf32>
    %reduce_min3A_583 = arith.constant dense<0x7F800000> : vector<256xf32>
    %reduce_min3A_584 = vector.multi_reduction <minimumf>, %select_n3A_579, %reduce_min3A_583 [1] : vector<256x128xf32> to vector<256xf32>
    %broadcast_in_dim3A_585 = vector.shape_cast %reduce_min3A_584 : vector<256xf32> to vector<256x1xf32>
    %eq3A_586 = vector.broadcast %broadcast_in_dim3A_585 : vector<256x1xf32> to vector<256x128xf32>
    %eq3A_587 = arith.cmpf oeq, %select_n3A_579, %eq3A_586 : vector<256x128xf32>
    %jit3A_588 = arith.constant 1.280000e+02 : f32
    %broadcast_in_dim3A_589 = vector.broadcast %jit3A_588 : f32 to vector<256x128xf32>
    %select_n3A_590 = arith.select %eq3A_587, %convert_element_type3A, %broadcast_in_dim3A_589 : vector<256x128xi1>, vector<256x128xf32>
    %reduce_min3A_591 = arith.constant dense<0x7F800000> : vector<256xf32>
    %reduce_min3A_592 = vector.multi_reduction <minimumf>, %select_n3A_590, %reduce_min3A_591 [1] : vector<256x128xf32> to vector<256xf32>
    %broadcast_in_dim3A_593 = vector.shape_cast %reduce_min3A_592 : vector<256xf32> to vector<256x1xf32>
    %eq3A_594 = vector.broadcast %broadcast_in_dim3A_593 : vector<256x1xf32> to vector<256x128xf32>
    %eq3A_595 = arith.cmpf oeq, %convert_element_type3A, %eq3A_594 : vector<256x128xf32>
    %select_n3A_596 = arith.select %eq3A_595, %select_n3A_580, %select_n3A_579 : vector<256x128xi1>, vector<256x128xf32>
    %select_n3A_597 = arith.select %eq3A_595, %select_n3A_581, %select_n3A_580 : vector<256x128xi1>, vector<256x128xf32>
    %select_n3A_598 = arith.select %eq3A_595, %select_n3A_582, %select_n3A_581 : vector<256x128xi1>, vector<256x128xf32>
    %select_n3A_599 = arith.select %eq3A_595, %broadcast_in_dim3A_566, %select_n3A_582 : vector<256x128xi1>, vector<256x128xf32>
    %reduce_min3A_600 = arith.constant dense<0x7F800000> : vector<256xf32>
    %reduce_min3A_601 = vector.multi_reduction <minimumf>, %select_n3A_596, %reduce_min3A_600 [1] : vector<256x128xf32> to vector<256xf32>
    %broadcast_in_dim3A_602 = vector.shape_cast %reduce_min3A_601 : vector<256xf32> to vector<256x1xf32>
    %eq3A_603 = vector.broadcast %broadcast_in_dim3A_602 : vector<256x1xf32> to vector<256x128xf32>
    %eq3A_604 = arith.cmpf oeq, %select_n3A_596, %eq3A_603 : vector<256x128xf32>
    %jit3A_605 = arith.constant 1.280000e+02 : f32
    %broadcast_in_dim3A_606 = vector.broadcast %jit3A_605 : f32 to vector<256x128xf32>
    %select_n3A_607 = arith.select %eq3A_604, %convert_element_type3A, %broadcast_in_dim3A_606 : vector<256x128xi1>, vector<256x128xf32>
    %reduce_min3A_608 = arith.constant dense<0x7F800000> : vector<256xf32>
    %reduce_min3A_609 = vector.multi_reduction <minimumf>, %select_n3A_607, %reduce_min3A_608 [1] : vector<256x128xf32> to vector<256xf32>
    %broadcast_in_dim3A_610 = vector.shape_cast %reduce_min3A_609 : vector<256xf32> to vector<256x1xf32>
    %eq3A_611 = vector.broadcast %broadcast_in_dim3A_610 : vector<256x1xf32> to vector<256x128xf32>
    %eq3A_612 = arith.cmpf oeq, %convert_element_type3A, %eq3A_611 : vector<256x128xf32>
    %select_n3A_613 = arith.select %eq3A_612, %select_n3A_597, %select_n3A_596 : vector<256x128xi1>, vector<256x128xf32>
    %select_n3A_614 = arith.select %eq3A_612, %select_n3A_598, %select_n3A_597 : vector<256x128xi1>, vector<256x128xf32>
    %select_n3A_615 = arith.select %eq3A_612, %select_n3A_599, %select_n3A_598 : vector<256x128xi1>, vector<256x128xf32>
    %select_n3A_616 = arith.select %eq3A_612, %broadcast_in_dim3A_566, %select_n3A_599 : vector<256x128xi1>, vector<256x128xf32>
    %reduce_min3A_617 = arith.constant dense<0x7F800000> : vector<256xf32>
    %reduce_min3A_618 = vector.multi_reduction <minimumf>, %select_n3A_613, %reduce_min3A_617 [1] : vector<256x128xf32> to vector<256xf32>
    %broadcast_in_dim3A_619 = vector.shape_cast %reduce_min3A_618 : vector<256xf32> to vector<256x1xf32>
    %eq3A_620 = vector.broadcast %broadcast_in_dim3A_619 : vector<256x1xf32> to vector<256x128xf32>
    %eq3A_621 = arith.cmpf oeq, %select_n3A_613, %eq3A_620 : vector<256x128xf32>
    %jit3A_622 = arith.constant 1.280000e+02 : f32
    %broadcast_in_dim3A_623 = vector.broadcast %jit3A_622 : f32 to vector<256x128xf32>
    %select_n3A_624 = arith.select %eq3A_621, %convert_element_type3A, %broadcast_in_dim3A_623 : vector<256x128xi1>, vector<256x128xf32>
    %reduce_min3A_625 = arith.constant dense<0x7F800000> : vector<256xf32>
    %reduce_min3A_626 = vector.multi_reduction <minimumf>, %select_n3A_624, %reduce_min3A_625 [1] : vector<256x128xf32> to vector<256xf32>
    %broadcast_in_dim3A_627 = vector.shape_cast %reduce_min3A_626 : vector<256xf32> to vector<256x1xf32>
    %eq3A_628 = vector.broadcast %broadcast_in_dim3A_627 : vector<256x1xf32> to vector<256x128xf32>
    %eq3A_629 = arith.cmpf oeq, %convert_element_type3A, %eq3A_628 : vector<256x128xf32>
    %select_n3A_630 = arith.select %eq3A_629, %select_n3A_614, %select_n3A_613 : vector<256x128xi1>, vector<256x128xf32>
    %select_n3A_631 = arith.select %eq3A_629, %select_n3A_615, %select_n3A_614 : vector<256x128xi1>, vector<256x128xf32>
    %select_n3A_632 = arith.select %eq3A_629, %select_n3A_616, %select_n3A_615 : vector<256x128xi1>, vector<256x128xf32>
    %select_n3A_633 = arith.select %eq3A_629, %broadcast_in_dim3A_566, %select_n3A_616 : vector<256x128xi1>, vector<256x128xf32>
    %reduce_min3A_634 = arith.constant dense<0x7F800000> : vector<256xf32>
    %reduce_min3A_635 = vector.multi_reduction <minimumf>, %select_n3A_630, %reduce_min3A_634 [1] : vector<256x128xf32> to vector<256xf32>
    %broadcast_in_dim3A_636 = vector.shape_cast %reduce_min3A_635 : vector<256xf32> to vector<256x1xf32>
    %eq3A_637 = vector.broadcast %broadcast_in_dim3A_636 : vector<256x1xf32> to vector<256x128xf32>
    %eq3A_638 = arith.cmpf oeq, %select_n3A_630, %eq3A_637 : vector<256x128xf32>
    %jit3A_639 = arith.constant 1.280000e+02 : f32
    %broadcast_in_dim3A_640 = vector.broadcast %jit3A_639 : f32 to vector<256x128xf32>
    %select_n3A_641 = arith.select %eq3A_638, %convert_element_type3A, %broadcast_in_dim3A_640 : vector<256x128xi1>, vector<256x128xf32>
    %reduce_min3A_642 = arith.constant dense<0x7F800000> : vector<256xf32>
    %reduce_min3A_643 = vector.multi_reduction <minimumf>, %select_n3A_641, %reduce_min3A_642 [1] : vector<256x128xf32> to vector<256xf32>
    %broadcast_in_dim3A_644 = vector.shape_cast %reduce_min3A_643 : vector<256xf32> to vector<256x1xf32>
    %eq3A_645 = vector.broadcast %broadcast_in_dim3A_644 : vector<256x1xf32> to vector<256x128xf32>
    %eq3A_646 = arith.cmpf oeq, %convert_element_type3A, %eq3A_645 : vector<256x128xf32>
    %select_n3A_647 = arith.select %eq3A_646, %select_n3A_631, %select_n3A_630 : vector<256x128xi1>, vector<256x128xf32>
    %select_n3A_648 = arith.select %eq3A_646, %select_n3A_632, %select_n3A_631 : vector<256x128xi1>, vector<256x128xf32>
    %select_n3A_649 = arith.select %eq3A_646, %select_n3A_633, %select_n3A_632 : vector<256x128xi1>, vector<256x128xf32>
    %select_n3A_650 = arith.select %eq3A_646, %broadcast_in_dim3A_566, %select_n3A_633 : vector<256x128xi1>, vector<256x128xf32>
    %reduce_min3A_651 = arith.constant dense<0x7F800000> : vector<256xf32>
    %reduce_min3A_652 = vector.multi_reduction <minimumf>, %select_n3A_647, %reduce_min3A_651 [1] : vector<256x128xf32> to vector<256xf32>
    %broadcast_in_dim3A_653 = vector.shape_cast %reduce_min3A_652 : vector<256xf32> to vector<256x1xf32>
    %eq3A_654 = vector.broadcast %broadcast_in_dim3A_653 : vector<256x1xf32> to vector<256x128xf32>
    %eq3A_655 = arith.cmpf oeq, %select_n3A_647, %eq3A_654 : vector<256x128xf32>
    %jit3A_656 = arith.constant 1.280000e+02 : f32
    %broadcast_in_dim3A_657 = vector.broadcast %jit3A_656 : f32 to vector<256x128xf32>
    %select_n3A_658 = arith.select %eq3A_655, %convert_element_type3A, %broadcast_in_dim3A_657 : vector<256x128xi1>, vector<256x128xf32>
    %reduce_min3A_659 = arith.constant dense<0x7F800000> : vector<256xf32>
    %reduce_min3A_660 = vector.multi_reduction <minimumf>, %select_n3A_658, %reduce_min3A_659 [1] : vector<256x128xf32> to vector<256xf32>
    %broadcast_in_dim3A_661 = vector.shape_cast %reduce_min3A_660 : vector<256xf32> to vector<256x1xf32>
    %eq3A_662 = vector.broadcast %broadcast_in_dim3A_661 : vector<256x1xf32> to vector<256x128xf32>
    %eq3A_663 = arith.cmpf oeq, %convert_element_type3A, %eq3A_662 : vector<256x128xf32>
    %select_n3A_664 = arith.select %eq3A_663, %select_n3A_648, %select_n3A_647 : vector<256x128xi1>, vector<256x128xf32>
    %select_n3A_665 = arith.select %eq3A_663, %select_n3A_649, %select_n3A_648 : vector<256x128xi1>, vector<256x128xf32>
    %select_n3A_666 = arith.select %eq3A_663, %select_n3A_650, %select_n3A_649 : vector<256x128xi1>, vector<256x128xf32>
    %select_n3A_667 = arith.select %eq3A_663, %broadcast_in_dim3A_566, %select_n3A_650 : vector<256x128xi1>, vector<256x128xf32>
    %reduce_min3A_668 = arith.constant dense<0x7F800000> : vector<256xf32>
    %reduce_min3A_669 = vector.multi_reduction <minimumf>, %select_n3A_664, %reduce_min3A_668 [1] : vector<256x128xf32> to vector<256xf32>
    %broadcast_in_dim3A_670 = vector.shape_cast %reduce_min3A_669 : vector<256xf32> to vector<256x1xf32>
    %eq3A_671 = vector.broadcast %broadcast_in_dim3A_670 : vector<256x1xf32> to vector<256x128xf32>
    %eq3A_672 = arith.cmpf oeq, %select_n3A_664, %eq3A_671 : vector<256x128xf32>
    %jit3A_673 = arith.constant 1.280000e+02 : f32
    %broadcast_in_dim3A_674 = vector.broadcast %jit3A_673 : f32 to vector<256x128xf32>
    %select_n3A_675 = arith.select %eq3A_672, %convert_element_type3A, %broadcast_in_dim3A_674 : vector<256x128xi1>, vector<256x128xf32>
    %reduce_min3A_676 = arith.constant dense<0x7F800000> : vector<256xf32>
    %reduce_min3A_677 = vector.multi_reduction <minimumf>, %select_n3A_675, %reduce_min3A_676 [1] : vector<256x128xf32> to vector<256xf32>
    %broadcast_in_dim3A_678 = vector.shape_cast %reduce_min3A_677 : vector<256xf32> to vector<256x1xf32>
    %eq3A_679 = vector.broadcast %broadcast_in_dim3A_678 : vector<256x1xf32> to vector<256x128xf32>
    %eq3A_680 = arith.cmpf oeq, %convert_element_type3A, %eq3A_679 : vector<256x128xf32>
    %select_n3A_681 = arith.select %eq3A_680, %select_n3A_665, %select_n3A_664 : vector<256x128xi1>, vector<256x128xf32>
    %select_n3A_682 = arith.select %eq3A_680, %select_n3A_666, %select_n3A_665 : vector<256x128xi1>, vector<256x128xf32>
    %select_n3A_683 = arith.select %eq3A_680, %select_n3A_667, %select_n3A_666 : vector<256x128xi1>, vector<256x128xf32>
    %select_n3A_684 = arith.select %eq3A_680, %broadcast_in_dim3A_566, %select_n3A_667 : vector<256x128xi1>, vector<256x128xf32>
    %reduce_min3A_685 = arith.constant dense<0x7F800000> : vector<256xf32>
    %reduce_min3A_686 = vector.multi_reduction <minimumf>, %select_n3A_681, %reduce_min3A_685 [1] : vector<256x128xf32> to vector<256xf32>
    %broadcast_in_dim3A_687 = vector.shape_cast %reduce_min3A_686 : vector<256xf32> to vector<256x1xf32>
    %eq3A_688 = vector.broadcast %broadcast_in_dim3A_687 : vector<256x1xf32> to vector<256x128xf32>
    %eq3A_689 = arith.cmpf oeq, %select_n3A_681, %eq3A_688 : vector<256x128xf32>
    %jit3A_690 = arith.constant 1.280000e+02 : f32
    %broadcast_in_dim3A_691 = vector.broadcast %jit3A_690 : f32 to vector<256x128xf32>
    %select_n3A_692 = arith.select %eq3A_689, %convert_element_type3A, %broadcast_in_dim3A_691 : vector<256x128xi1>, vector<256x128xf32>
    %reduce_min3A_693 = arith.constant dense<0x7F800000> : vector<256xf32>
    %reduce_min3A_694 = vector.multi_reduction <minimumf>, %select_n3A_692, %reduce_min3A_693 [1] : vector<256x128xf32> to vector<256xf32>
    %broadcast_in_dim3A_695 = vector.shape_cast %reduce_min3A_694 : vector<256xf32> to vector<256x1xf32>
    %eq3A_696 = vector.broadcast %broadcast_in_dim3A_695 : vector<256x1xf32> to vector<256x128xf32>
    %eq3A_697 = arith.cmpf oeq, %convert_element_type3A, %eq3A_696 : vector<256x128xf32>
    %select_n3A_698 = arith.select %eq3A_697, %select_n3A_682, %select_n3A_681 : vector<256x128xi1>, vector<256x128xf32>
    %select_n3A_699 = arith.select %eq3A_697, %select_n3A_683, %select_n3A_682 : vector<256x128xi1>, vector<256x128xf32>
    %select_n3A_700 = arith.select %eq3A_697, %select_n3A_684, %select_n3A_683 : vector<256x128xi1>, vector<256x128xf32>
    %select_n3A_701 = arith.select %eq3A_697, %broadcast_in_dim3A_566, %select_n3A_684 : vector<256x128xi1>, vector<256x128xf32>
    %reduce_min3A_702 = arith.constant dense<0x7F800000> : vector<256xf32>
    %reduce_min3A_703 = vector.multi_reduction <minimumf>, %select_n3A_698, %reduce_min3A_702 [1] : vector<256x128xf32> to vector<256xf32>
    %broadcast_in_dim3A_704 = vector.shape_cast %reduce_min3A_703 : vector<256xf32> to vector<256x1xf32>
    %eq3A_705 = vector.broadcast %broadcast_in_dim3A_704 : vector<256x1xf32> to vector<256x128xf32>
    %eq3A_706 = arith.cmpf oeq, %select_n3A_698, %eq3A_705 : vector<256x128xf32>
    %jit3A_707 = arith.constant 1.280000e+02 : f32
    %broadcast_in_dim3A_708 = vector.broadcast %jit3A_707 : f32 to vector<256x128xf32>
    %select_n3A_709 = arith.select %eq3A_706, %convert_element_type3A, %broadcast_in_dim3A_708 : vector<256x128xi1>, vector<256x128xf32>
    %reduce_min3A_710 = arith.constant dense<0x7F800000> : vector<256xf32>
    %reduce_min3A_711 = vector.multi_reduction <minimumf>, %select_n3A_709, %reduce_min3A_710 [1] : vector<256x128xf32> to vector<256xf32>
    %broadcast_in_dim3A_712 = vector.shape_cast %reduce_min3A_711 : vector<256xf32> to vector<256x1xf32>
    %eq3A_713 = vector.broadcast %broadcast_in_dim3A_712 : vector<256x1xf32> to vector<256x128xf32>
    %eq3A_714 = arith.cmpf oeq, %convert_element_type3A, %eq3A_713 : vector<256x128xf32>
    %select_n3A_715 = arith.select %eq3A_714, %select_n3A_699, %select_n3A_698 : vector<256x128xi1>, vector<256x128xf32>
    %select_n3A_716 = arith.select %eq3A_714, %select_n3A_700, %select_n3A_699 : vector<256x128xi1>, vector<256x128xf32>
    %select_n3A_717 = arith.select %eq3A_714, %select_n3A_701, %select_n3A_700 : vector<256x128xi1>, vector<256x128xf32>
    %select_n3A_718 = arith.select %eq3A_714, %broadcast_in_dim3A_566, %select_n3A_701 : vector<256x128xi1>, vector<256x128xf32>
    %reduce_min3A_719 = arith.constant dense<0x7F800000> : vector<256xf32>
    %reduce_min3A_720 = vector.multi_reduction <minimumf>, %select_n3A_715, %reduce_min3A_719 [1] : vector<256x128xf32> to vector<256xf32>
    %broadcast_in_dim3A_721 = vector.shape_cast %reduce_min3A_720 : vector<256xf32> to vector<256x1xf32>
    %eq3A_722 = vector.broadcast %broadcast_in_dim3A_721 : vector<256x1xf32> to vector<256x128xf32>
    %eq3A_723 = arith.cmpf oeq, %select_n3A_715, %eq3A_722 : vector<256x128xf32>
    %jit3A_724 = arith.constant 1.280000e+02 : f32
    %broadcast_in_dim3A_725 = vector.broadcast %jit3A_724 : f32 to vector<256x128xf32>
    %select_n3A_726 = arith.select %eq3A_723, %convert_element_type3A, %broadcast_in_dim3A_725 : vector<256x128xi1>, vector<256x128xf32>
    %reduce_min3A_727 = arith.constant dense<0x7F800000> : vector<256xf32>
    %reduce_min3A_728 = vector.multi_reduction <minimumf>, %select_n3A_726, %reduce_min3A_727 [1] : vector<256x128xf32> to vector<256xf32>
    %broadcast_in_dim3A_729 = vector.shape_cast %reduce_min3A_728 : vector<256xf32> to vector<256x1xf32>
    %eq3A_730 = vector.broadcast %broadcast_in_dim3A_729 : vector<256x1xf32> to vector<256x128xf32>
    %eq3A_731 = arith.cmpf oeq, %convert_element_type3A, %eq3A_730 : vector<256x128xf32>
    %select_n3A_732 = arith.select %eq3A_731, %select_n3A_716, %select_n3A_715 : vector<256x128xi1>, vector<256x128xf32>
    %select_n3A_733 = arith.select %eq3A_731, %select_n3A_717, %select_n3A_716 : vector<256x128xi1>, vector<256x128xf32>
    %select_n3A_734 = arith.select %eq3A_731, %select_n3A_718, %select_n3A_717 : vector<256x128xi1>, vector<256x128xf32>
    %select_n3A_735 = arith.select %eq3A_731, %broadcast_in_dim3A_566, %select_n3A_718 : vector<256x128xi1>, vector<256x128xf32>
    %reduce_min3A_736 = arith.constant dense<0x7F800000> : vector<256xf32>
    %reduce_min3A_737 = vector.multi_reduction <minimumf>, %select_n3A_732, %reduce_min3A_736 [1] : vector<256x128xf32> to vector<256xf32>
    %broadcast_in_dim3A_738 = vector.shape_cast %reduce_min3A_737 : vector<256xf32> to vector<256x1xf32>
    %eq3A_739 = vector.broadcast %broadcast_in_dim3A_738 : vector<256x1xf32> to vector<256x128xf32>
    %eq3A_740 = arith.cmpf oeq, %select_n3A_732, %eq3A_739 : vector<256x128xf32>
    %jit3A_741 = arith.constant 1.280000e+02 : f32
    %broadcast_in_dim3A_742 = vector.broadcast %jit3A_741 : f32 to vector<256x128xf32>
    %select_n3A_743 = arith.select %eq3A_740, %convert_element_type3A, %broadcast_in_dim3A_742 : vector<256x128xi1>, vector<256x128xf32>
    %reduce_min3A_744 = arith.constant dense<0x7F800000> : vector<256xf32>
    %reduce_min3A_745 = vector.multi_reduction <minimumf>, %select_n3A_743, %reduce_min3A_744 [1] : vector<256x128xf32> to vector<256xf32>
    %broadcast_in_dim3A_746 = vector.shape_cast %reduce_min3A_745 : vector<256xf32> to vector<256x1xf32>
    %eq3A_747 = vector.broadcast %broadcast_in_dim3A_746 : vector<256x1xf32> to vector<256x128xf32>
    %eq3A_748 = arith.cmpf oeq, %convert_element_type3A, %eq3A_747 : vector<256x128xf32>
    %select_n3A_749 = arith.select %eq3A_748, %select_n3A_733, %select_n3A_732 : vector<256x128xi1>, vector<256x128xf32>
    %select_n3A_750 = arith.select %eq3A_748, %select_n3A_734, %select_n3A_733 : vector<256x128xi1>, vector<256x128xf32>
    %select_n3A_751 = arith.select %eq3A_748, %select_n3A_735, %select_n3A_734 : vector<256x128xi1>, vector<256x128xf32>
    %select_n3A_752 = arith.select %eq3A_748, %broadcast_in_dim3A_566, %select_n3A_735 : vector<256x128xi1>, vector<256x128xf32>
    %reduce_min3A_753 = arith.constant dense<0x7F800000> : vector<256xf32>
    %reduce_min3A_754 = vector.multi_reduction <minimumf>, %select_n3A_749, %reduce_min3A_753 [1] : vector<256x128xf32> to vector<256xf32>
    %broadcast_in_dim3A_755 = vector.shape_cast %reduce_min3A_754 : vector<256xf32> to vector<256x1xf32>
    %eq3A_756 = vector.broadcast %broadcast_in_dim3A_755 : vector<256x1xf32> to vector<256x128xf32>
    %eq3A_757 = arith.cmpf oeq, %select_n3A_749, %eq3A_756 : vector<256x128xf32>
    %jit3A_758 = arith.constant 1.280000e+02 : f32
    %broadcast_in_dim3A_759 = vector.broadcast %jit3A_758 : f32 to vector<256x128xf32>
    %select_n3A_760 = arith.select %eq3A_757, %convert_element_type3A, %broadcast_in_dim3A_759 : vector<256x128xi1>, vector<256x128xf32>
    %reduce_min3A_761 = arith.constant dense<0x7F800000> : vector<256xf32>
    %reduce_min3A_762 = vector.multi_reduction <minimumf>, %select_n3A_760, %reduce_min3A_761 [1] : vector<256x128xf32> to vector<256xf32>
    %broadcast_in_dim3A_763 = vector.shape_cast %reduce_min3A_762 : vector<256xf32> to vector<256x1xf32>
    %eq3A_764 = vector.broadcast %broadcast_in_dim3A_763 : vector<256x1xf32> to vector<256x128xf32>
    %eq3A_765 = arith.cmpf oeq, %convert_element_type3A, %eq3A_764 : vector<256x128xf32>
    %select_n3A_766 = arith.select %eq3A_765, %select_n3A_750, %select_n3A_749 : vector<256x128xi1>, vector<256x128xf32>
    %select_n3A_767 = arith.select %eq3A_765, %select_n3A_751, %select_n3A_750 : vector<256x128xi1>, vector<256x128xf32>
    %select_n3A_768 = arith.select %eq3A_765, %select_n3A_752, %select_n3A_751 : vector<256x128xi1>, vector<256x128xf32>
    %select_n3A_769 = arith.select %eq3A_765, %broadcast_in_dim3A_566, %select_n3A_752 : vector<256x128xi1>, vector<256x128xf32>
    %reduce_min3A_770 = arith.constant dense<0x7F800000> : vector<256xf32>
    %reduce_min3A_771 = vector.multi_reduction <minimumf>, %select_n3A_766, %reduce_min3A_770 [1] : vector<256x128xf32> to vector<256xf32>
    %broadcast_in_dim3A_772 = vector.shape_cast %reduce_min3A_771 : vector<256xf32> to vector<256x1xf32>
    %eq3A_773 = vector.broadcast %broadcast_in_dim3A_772 : vector<256x1xf32> to vector<256x128xf32>
    %eq3A_774 = arith.cmpf oeq, %select_n3A_766, %eq3A_773 : vector<256x128xf32>
    %jit3A_775 = arith.constant 1.280000e+02 : f32
    %broadcast_in_dim3A_776 = vector.broadcast %jit3A_775 : f32 to vector<256x128xf32>
    %select_n3A_777 = arith.select %eq3A_774, %convert_element_type3A, %broadcast_in_dim3A_776 : vector<256x128xi1>, vector<256x128xf32>
    %reduce_min3A_778 = arith.constant dense<0x7F800000> : vector<256xf32>
    %reduce_min3A_779 = vector.multi_reduction <minimumf>, %select_n3A_777, %reduce_min3A_778 [1] : vector<256x128xf32> to vector<256xf32>
    %broadcast_in_dim3A_780 = vector.shape_cast %reduce_min3A_779 : vector<256xf32> to vector<256x1xf32>
    %eq3A_781 = vector.broadcast %broadcast_in_dim3A_780 : vector<256x1xf32> to vector<256x128xf32>
    %eq3A_782 = arith.cmpf oeq, %convert_element_type3A, %eq3A_781 : vector<256x128xf32>
    %select_n3A_783 = arith.select %eq3A_782, %select_n3A_767, %select_n3A_766 : vector<256x128xi1>, vector<256x128xf32>
    %select_n3A_784 = arith.select %eq3A_782, %select_n3A_768, %select_n3A_767 : vector<256x128xi1>, vector<256x128xf32>
    %select_n3A_785 = arith.select %eq3A_782, %select_n3A_769, %select_n3A_768 : vector<256x128xi1>, vector<256x128xf32>
    %select_n3A_786 = arith.select %eq3A_782, %broadcast_in_dim3A_566, %select_n3A_769 : vector<256x128xi1>, vector<256x128xf32>
    %reduce_min3A_787 = arith.constant dense<0x7F800000> : vector<256xf32>
    %reduce_min3A_788 = vector.multi_reduction <minimumf>, %select_n3A_783, %reduce_min3A_787 [1] : vector<256x128xf32> to vector<256xf32>
    %broadcast_in_dim3A_789 = vector.shape_cast %reduce_min3A_788 : vector<256xf32> to vector<256x1xf32>
    %eq3A_790 = vector.broadcast %broadcast_in_dim3A_789 : vector<256x1xf32> to vector<256x128xf32>
    %eq3A_791 = arith.cmpf oeq, %select_n3A_783, %eq3A_790 : vector<256x128xf32>
    %jit3A_792 = arith.constant 1.280000e+02 : f32
    %broadcast_in_dim3A_793 = vector.broadcast %jit3A_792 : f32 to vector<256x128xf32>
    %select_n3A_794 = arith.select %eq3A_791, %convert_element_type3A, %broadcast_in_dim3A_793 : vector<256x128xi1>, vector<256x128xf32>
    %reduce_min3A_795 = arith.constant dense<0x7F800000> : vector<256xf32>
    %reduce_min3A_796 = vector.multi_reduction <minimumf>, %select_n3A_794, %reduce_min3A_795 [1] : vector<256x128xf32> to vector<256xf32>
    %broadcast_in_dim3A_797 = vector.shape_cast %reduce_min3A_796 : vector<256xf32> to vector<256x1xf32>
    %eq3A_798 = vector.broadcast %broadcast_in_dim3A_797 : vector<256x1xf32> to vector<256x128xf32>
    %eq3A_799 = arith.cmpf oeq, %convert_element_type3A, %eq3A_798 : vector<256x128xf32>
    %select_n3A_800 = arith.select %eq3A_799, %select_n3A_784, %select_n3A_783 : vector<256x128xi1>, vector<256x128xf32>
    %select_n3A_801 = arith.select %eq3A_799, %select_n3A_785, %select_n3A_784 : vector<256x128xi1>, vector<256x128xf32>
    %select_n3A_802 = arith.select %eq3A_799, %select_n3A_786, %select_n3A_785 : vector<256x128xi1>, vector<256x128xf32>
    %reduce_min3A_803 = arith.constant dense<0x7F800000> : vector<256xf32>
    %reduce_min3A_804 = vector.multi_reduction <minimumf>, %select_n3A_800, %reduce_min3A_803 [1] : vector<256x128xf32> to vector<256xf32>
    %broadcast_in_dim3A_805 = vector.shape_cast %reduce_min3A_804 : vector<256xf32> to vector<256x1xf32>
    %eq3A_806 = vector.broadcast %broadcast_in_dim3A_805 : vector<256x1xf32> to vector<256x128xf32>
    %eq3A_807 = arith.cmpf oeq, %select_n3A_800, %eq3A_806 : vector<256x128xf32>
    %jit3A_808 = arith.constant 1.280000e+02 : f32
    %broadcast_in_dim3A_809 = vector.broadcast %jit3A_808 : f32 to vector<256x128xf32>
    %select_n3A_810 = arith.select %eq3A_807, %convert_element_type3A, %broadcast_in_dim3A_809 : vector<256x128xi1>, vector<256x128xf32>
    %reduce_min3A_811 = arith.constant dense<0x7F800000> : vector<256xf32>
    %reduce_min3A_812 = vector.multi_reduction <minimumf>, %select_n3A_810, %reduce_min3A_811 [1] : vector<256x128xf32> to vector<256xf32>
    %broadcast_in_dim3A_813 = vector.shape_cast %reduce_min3A_812 : vector<256xf32> to vector<256x1xf32>
    %eq3A_814 = vector.broadcast %broadcast_in_dim3A_813 : vector<256x1xf32> to vector<256x128xf32>
    %eq3A_815 = arith.cmpf oeq, %convert_element_type3A, %eq3A_814 : vector<256x128xf32>
    %select_n3A_816 = arith.select %eq3A_815, %select_n3A_801, %select_n3A_800 : vector<256x128xi1>, vector<256x128xf32>
    %select_n3A_817 = arith.select %eq3A_815, %select_n3A_802, %select_n3A_801 : vector<256x128xi1>, vector<256x128xf32>
    %reduce_min3A_818 = arith.constant dense<0x7F800000> : vector<256xf32>
    %reduce_min3A_819 = vector.multi_reduction <minimumf>, %select_n3A_816, %reduce_min3A_818 [1] : vector<256x128xf32> to vector<256xf32>
    %broadcast_in_dim3A_820 = vector.shape_cast %reduce_min3A_819 : vector<256xf32> to vector<256x1xf32>
    %eq3A_821 = vector.broadcast %broadcast_in_dim3A_820 : vector<256x1xf32> to vector<256x128xf32>
    %eq3A_822 = arith.cmpf oeq, %select_n3A_816, %eq3A_821 : vector<256x128xf32>
    %jit3A_823 = arith.constant 1.280000e+02 : f32
    %broadcast_in_dim3A_824 = vector.broadcast %jit3A_823 : f32 to vector<256x128xf32>
    %select_n3A_825 = arith.select %eq3A_822, %convert_element_type3A, %broadcast_in_dim3A_824 : vector<256x128xi1>, vector<256x128xf32>
    %reduce_min3A_826 = arith.constant dense<0x7F800000> : vector<256xf32>
    %reduce_min3A_827 = vector.multi_reduction <minimumf>, %select_n3A_825, %reduce_min3A_826 [1] : vector<256x128xf32> to vector<256xf32>
    %broadcast_in_dim3A_828 = vector.shape_cast %reduce_min3A_827 : vector<256xf32> to vector<256x1xf32>
    %eq3A_829 = vector.broadcast %broadcast_in_dim3A_828 : vector<256x1xf32> to vector<256x128xf32>
    %eq3A_830 = arith.cmpf oeq, %convert_element_type3A, %eq3A_829 : vector<256x128xf32>
    %select_n3A_831 = arith.select %eq3A_830, %select_n3A_817, %select_n3A_816 : vector<256x128xi1>, vector<256x128xf32>
    %reduce_min3A_832 = arith.constant dense<0x7F800000> : vector<256xf32>
    %reduce_min3A_833 = vector.multi_reduction <minimumf>, %select_n3A_831, %reduce_min3A_832 [1] : vector<256x128xf32> to vector<256xf32>
    %broadcast_in_dim3A_834 = vector.shape_cast %reduce_min3A_833 : vector<256xf32> to vector<256x1xf32>
    %eq3A_835 = vector.broadcast %broadcast_in_dim3A_834 : vector<256x1xf32> to vector<256x128xf32>
    %eq3A_836 = arith.cmpf oeq, %select_n3A_831, %eq3A_835 : vector<256x128xf32>
    %jit3A_837 = arith.constant 1.280000e+02 : f32
    %broadcast_in_dim3A_838 = vector.broadcast %jit3A_837 : f32 to vector<256x128xf32>
    %select_n3A_839 = arith.select %eq3A_836, %convert_element_type3A, %broadcast_in_dim3A_838 : vector<256x128xi1>, vector<256x128xf32>
    %reduce_min3A_840 = arith.constant dense<0x7F800000> : vector<256xf32>
    %reduce_min3A_841 = vector.multi_reduction <minimumf>, %select_n3A_839, %reduce_min3A_840 [1] : vector<256x128xf32> to vector<256xf32>
    %broadcast_in_dim3A_842 = vector.shape_cast %reduce_min3A_841 : vector<256xf32> to vector<256x1xf32>
    %bitcast_convert_type3A_843 = tpu.bitcast %broadcast_in_dim3A_585 : vector<256x1xf32> -> vector<256x1xi32>
    %and3A_844 = arith.constant 31 : i32
    %and3A_845 = vector.broadcast %and3A_844 : i32 to vector<256x1xi32>
    %and3A_846 = arith.andi %bitcast_convert_type3A_843, %and3A_845 : vector<256x1xi32>
    %convert_element_type3A_847 = arith.fptosi %broadcast_in_dim3A_593 : vector<256x1xf32> to vector<256x1xi32>
    %shift_left3A = arith.constant 7 : i32
    %shift_left3A_848 = vector.broadcast %shift_left3A : i32 to vector<256x1xi32>
    %shift_left3A_849 = arith.shli %and3A_846, %shift_left3A_848 : vector<256x1xi32>
    %or3A_850 = arith.ori %shift_left3A_849, %convert_element_type3A_847 : vector<256x1xi32>
    %bitcast_convert_type3A_851 = tpu.bitcast %broadcast_in_dim3A_602 : vector<256x1xf32> -> vector<256x1xi32>
    %and3A_852 = arith.constant 31 : i32
    %and3A_853 = vector.broadcast %and3A_852 : i32 to vector<256x1xi32>
    %and3A_854 = arith.andi %bitcast_convert_type3A_851, %and3A_853 : vector<256x1xi32>
    %convert_element_type3A_855 = arith.fptosi %broadcast_in_dim3A_610 : vector<256x1xf32> to vector<256x1xi32>
    %shift_left3A_856 = arith.constant 7 : i32
    %shift_left3A_857 = vector.broadcast %shift_left3A_856 : i32 to vector<256x1xi32>
    %shift_left3A_858 = arith.shli %and3A_854, %shift_left3A_857 : vector<256x1xi32>
    %or3A_859 = arith.ori %shift_left3A_858, %convert_element_type3A_855 : vector<256x1xi32>
    %bitcast_convert_type3A_860 = tpu.bitcast %broadcast_in_dim3A_619 : vector<256x1xf32> -> vector<256x1xi32>
    %and3A_861 = arith.constant 31 : i32
    %and3A_862 = vector.broadcast %and3A_861 : i32 to vector<256x1xi32>
    %and3A_863 = arith.andi %bitcast_convert_type3A_860, %and3A_862 : vector<256x1xi32>
    %convert_element_type3A_864 = arith.fptosi %broadcast_in_dim3A_627 : vector<256x1xf32> to vector<256x1xi32>
    %shift_left3A_865 = arith.constant 7 : i32
    %shift_left3A_866 = vector.broadcast %shift_left3A_865 : i32 to vector<256x1xi32>
    %shift_left3A_867 = arith.shli %and3A_863, %shift_left3A_866 : vector<256x1xi32>
    %or3A_868 = arith.ori %shift_left3A_867, %convert_element_type3A_864 : vector<256x1xi32>
    %bitcast_convert_type3A_869 = tpu.bitcast %broadcast_in_dim3A_636 : vector<256x1xf32> -> vector<256x1xi32>
    %and3A_870 = arith.constant 31 : i32
    %and3A_871 = vector.broadcast %and3A_870 : i32 to vector<256x1xi32>
    %and3A_872 = arith.andi %bitcast_convert_type3A_869, %and3A_871 : vector<256x1xi32>
    %convert_element_type3A_873 = arith.fptosi %broadcast_in_dim3A_644 : vector<256x1xf32> to vector<256x1xi32>
    %shift_left3A_874 = arith.constant 7 : i32
    %shift_left3A_875 = vector.broadcast %shift_left3A_874 : i32 to vector<256x1xi32>
    %shift_left3A_876 = arith.shli %and3A_872, %shift_left3A_875 : vector<256x1xi32>
    %or3A_877 = arith.ori %shift_left3A_876, %convert_element_type3A_873 : vector<256x1xi32>
    %bitcast_convert_type3A_878 = tpu.bitcast %broadcast_in_dim3A_653 : vector<256x1xf32> -> vector<256x1xi32>
    %and3A_879 = arith.constant 31 : i32
    %and3A_880 = vector.broadcast %and3A_879 : i32 to vector<256x1xi32>
    %and3A_881 = arith.andi %bitcast_convert_type3A_878, %and3A_880 : vector<256x1xi32>
    %convert_element_type3A_882 = arith.fptosi %broadcast_in_dim3A_661 : vector<256x1xf32> to vector<256x1xi32>
    %shift_left3A_883 = arith.constant 7 : i32
    %shift_left3A_884 = vector.broadcast %shift_left3A_883 : i32 to vector<256x1xi32>
    %shift_left3A_885 = arith.shli %and3A_881, %shift_left3A_884 : vector<256x1xi32>
    %or3A_886 = arith.ori %shift_left3A_885, %convert_element_type3A_882 : vector<256x1xi32>
    %bitcast_convert_type3A_887 = tpu.bitcast %broadcast_in_dim3A_670 : vector<256x1xf32> -> vector<256x1xi32>
    %and3A_888 = arith.constant 31 : i32
    %and3A_889 = vector.broadcast %and3A_888 : i32 to vector<256x1xi32>
    %and3A_890 = arith.andi %bitcast_convert_type3A_887, %and3A_889 : vector<256x1xi32>
    %convert_element_type3A_891 = arith.fptosi %broadcast_in_dim3A_678 : vector<256x1xf32> to vector<256x1xi32>
    %shift_left3A_892 = arith.constant 7 : i32
    %shift_left3A_893 = vector.broadcast %shift_left3A_892 : i32 to vector<256x1xi32>
    %shift_left3A_894 = arith.shli %and3A_890, %shift_left3A_893 : vector<256x1xi32>
    %or3A_895 = arith.ori %shift_left3A_894, %convert_element_type3A_891 : vector<256x1xi32>
    %bitcast_convert_type3A_896 = tpu.bitcast %broadcast_in_dim3A_687 : vector<256x1xf32> -> vector<256x1xi32>
    %and3A_897 = arith.constant 31 : i32
    %and3A_898 = vector.broadcast %and3A_897 : i32 to vector<256x1xi32>
    %and3A_899 = arith.andi %bitcast_convert_type3A_896, %and3A_898 : vector<256x1xi32>
    %convert_element_type3A_900 = arith.fptosi %broadcast_in_dim3A_695 : vector<256x1xf32> to vector<256x1xi32>
    %shift_left3A_901 = arith.constant 7 : i32
    %shift_left3A_902 = vector.broadcast %shift_left3A_901 : i32 to vector<256x1xi32>
    %shift_left3A_903 = arith.shli %and3A_899, %shift_left3A_902 : vector<256x1xi32>
    %or3A_904 = arith.ori %shift_left3A_903, %convert_element_type3A_900 : vector<256x1xi32>
    %bitcast_convert_type3A_905 = tpu.bitcast %broadcast_in_dim3A_704 : vector<256x1xf32> -> vector<256x1xi32>
    %and3A_906 = arith.constant 31 : i32
    %and3A_907 = vector.broadcast %and3A_906 : i32 to vector<256x1xi32>
    %and3A_908 = arith.andi %bitcast_convert_type3A_905, %and3A_907 : vector<256x1xi32>
    %convert_element_type3A_909 = arith.fptosi %broadcast_in_dim3A_712 : vector<256x1xf32> to vector<256x1xi32>
    %shift_left3A_910 = arith.constant 7 : i32
    %shift_left3A_911 = vector.broadcast %shift_left3A_910 : i32 to vector<256x1xi32>
    %shift_left3A_912 = arith.shli %and3A_908, %shift_left3A_911 : vector<256x1xi32>
    %or3A_913 = arith.ori %shift_left3A_912, %convert_element_type3A_909 : vector<256x1xi32>
    %bitcast_convert_type3A_914 = tpu.bitcast %broadcast_in_dim3A_721 : vector<256x1xf32> -> vector<256x1xi32>
    %and3A_915 = arith.constant 31 : i32
    %and3A_916 = vector.broadcast %and3A_915 : i32 to vector<256x1xi32>
    %and3A_917 = arith.andi %bitcast_convert_type3A_914, %and3A_916 : vector<256x1xi32>
    %convert_element_type3A_918 = arith.fptosi %broadcast_in_dim3A_729 : vector<256x1xf32> to vector<256x1xi32>
    %shift_left3A_919 = arith.constant 7 : i32
    %shift_left3A_920 = vector.broadcast %shift_left3A_919 : i32 to vector<256x1xi32>
    %shift_left3A_921 = arith.shli %and3A_917, %shift_left3A_920 : vector<256x1xi32>
    %or3A_922 = arith.ori %shift_left3A_921, %convert_element_type3A_918 : vector<256x1xi32>
    %bitcast_convert_type3A_923 = tpu.bitcast %broadcast_in_dim3A_738 : vector<256x1xf32> -> vector<256x1xi32>
    %and3A_924 = arith.constant 31 : i32
    %and3A_925 = vector.broadcast %and3A_924 : i32 to vector<256x1xi32>
    %and3A_926 = arith.andi %bitcast_convert_type3A_923, %and3A_925 : vector<256x1xi32>
    %convert_element_type3A_927 = arith.fptosi %broadcast_in_dim3A_746 : vector<256x1xf32> to vector<256x1xi32>
    %shift_left3A_928 = arith.constant 7 : i32
    %shift_left3A_929 = vector.broadcast %shift_left3A_928 : i32 to vector<256x1xi32>
    %shift_left3A_930 = arith.shli %and3A_926, %shift_left3A_929 : vector<256x1xi32>
    %or3A_931 = arith.ori %shift_left3A_930, %convert_element_type3A_927 : vector<256x1xi32>
    %bitcast_convert_type3A_932 = tpu.bitcast %broadcast_in_dim3A_755 : vector<256x1xf32> -> vector<256x1xi32>
    %and3A_933 = arith.constant 31 : i32
    %and3A_934 = vector.broadcast %and3A_933 : i32 to vector<256x1xi32>
    %and3A_935 = arith.andi %bitcast_convert_type3A_932, %and3A_934 : vector<256x1xi32>
    %convert_element_type3A_936 = arith.fptosi %broadcast_in_dim3A_763 : vector<256x1xf32> to vector<256x1xi32>
    %shift_left3A_937 = arith.constant 7 : i32
    %shift_left3A_938 = vector.broadcast %shift_left3A_937 : i32 to vector<256x1xi32>
    %shift_left3A_939 = arith.shli %and3A_935, %shift_left3A_938 : vector<256x1xi32>
    %or3A_940 = arith.ori %shift_left3A_939, %convert_element_type3A_936 : vector<256x1xi32>
    %bitcast_convert_type3A_941 = tpu.bitcast %broadcast_in_dim3A_772 : vector<256x1xf32> -> vector<256x1xi32>
    %and3A_942 = arith.constant 31 : i32
    %and3A_943 = vector.broadcast %and3A_942 : i32 to vector<256x1xi32>
    %and3A_944 = arith.andi %bitcast_convert_type3A_941, %and3A_943 : vector<256x1xi32>
    %convert_element_type3A_945 = arith.fptosi %broadcast_in_dim3A_780 : vector<256x1xf32> to vector<256x1xi32>
    %shift_left3A_946 = arith.constant 7 : i32
    %shift_left3A_947 = vector.broadcast %shift_left3A_946 : i32 to vector<256x1xi32>
    %shift_left3A_948 = arith.shli %and3A_944, %shift_left3A_947 : vector<256x1xi32>
    %or3A_949 = arith.ori %shift_left3A_948, %convert_element_type3A_945 : vector<256x1xi32>
    %bitcast_convert_type3A_950 = tpu.bitcast %broadcast_in_dim3A_789 : vector<256x1xf32> -> vector<256x1xi32>
    %and3A_951 = arith.constant 31 : i32
    %and3A_952 = vector.broadcast %and3A_951 : i32 to vector<256x1xi32>
    %and3A_953 = arith.andi %bitcast_convert_type3A_950, %and3A_952 : vector<256x1xi32>
    %convert_element_type3A_954 = arith.fptosi %broadcast_in_dim3A_797 : vector<256x1xf32> to vector<256x1xi32>
    %shift_left3A_955 = arith.constant 7 : i32
    %shift_left3A_956 = vector.broadcast %shift_left3A_955 : i32 to vector<256x1xi32>
    %shift_left3A_957 = arith.shli %and3A_953, %shift_left3A_956 : vector<256x1xi32>
    %or3A_958 = arith.ori %shift_left3A_957, %convert_element_type3A_954 : vector<256x1xi32>
    %bitcast_convert_type3A_959 = tpu.bitcast %broadcast_in_dim3A_805 : vector<256x1xf32> -> vector<256x1xi32>
    %and3A_960 = arith.constant 31 : i32
    %and3A_961 = vector.broadcast %and3A_960 : i32 to vector<256x1xi32>
    %and3A_962 = arith.andi %bitcast_convert_type3A_959, %and3A_961 : vector<256x1xi32>
    %convert_element_type3A_963 = arith.fptosi %broadcast_in_dim3A_813 : vector<256x1xf32> to vector<256x1xi32>
    %shift_left3A_964 = arith.constant 7 : i32
    %shift_left3A_965 = vector.broadcast %shift_left3A_964 : i32 to vector<256x1xi32>
    %shift_left3A_966 = arith.shli %and3A_962, %shift_left3A_965 : vector<256x1xi32>
    %or3A_967 = arith.ori %shift_left3A_966, %convert_element_type3A_963 : vector<256x1xi32>
    %bitcast_convert_type3A_968 = tpu.bitcast %broadcast_in_dim3A_820 : vector<256x1xf32> -> vector<256x1xi32>
    %and3A_969 = arith.constant 31 : i32
    %and3A_970 = vector.broadcast %and3A_969 : i32 to vector<256x1xi32>
    %and3A_971 = arith.andi %bitcast_convert_type3A_968, %and3A_970 : vector<256x1xi32>
    %convert_element_type3A_972 = arith.fptosi %broadcast_in_dim3A_828 : vector<256x1xf32> to vector<256x1xi32>
    %shift_left3A_973 = arith.constant 7 : i32
    %shift_left3A_974 = vector.broadcast %shift_left3A_973 : i32 to vector<256x1xi32>
    %shift_left3A_975 = arith.shli %and3A_971, %shift_left3A_974 : vector<256x1xi32>
    %or3A_976 = arith.ori %shift_left3A_975, %convert_element_type3A_972 : vector<256x1xi32>
    %bitcast_convert_type3A_977 = tpu.bitcast %broadcast_in_dim3A_834 : vector<256x1xf32> -> vector<256x1xi32>
    %and3A_978 = arith.constant 31 : i32
    %and3A_979 = vector.broadcast %and3A_978 : i32 to vector<256x1xi32>
    %and3A_980 = arith.andi %bitcast_convert_type3A_977, %and3A_979 : vector<256x1xi32>
    %convert_element_type3A_981 = arith.fptosi %broadcast_in_dim3A_842 : vector<256x1xf32> to vector<256x1xi32>
    %shift_left3A_982 = arith.constant 7 : i32
    %shift_left3A_983 = vector.broadcast %shift_left3A_982 : i32 to vector<256x1xi32>
    %shift_left3A_984 = arith.shli %and3A_980, %shift_left3A_983 : vector<256x1xi32>
    %or3A_985 = arith.ori %shift_left3A_984, %convert_element_type3A_981 : vector<256x1xi32>
    %concatenate3A = tpu.concatenate %or3A_850, %or3A_859, %or3A_868, %or3A_877, %or3A_886, %or3A_895, %or3A_904, %or3A_913, %or3A_922, %or3A_931, %or3A_940, %or3A_949, %or3A_958, %or3A_967, %or3A_976, %or3A_985 in 1 : vector<256x1xi32>, vector<256x1xi32>, vector<256x1xi32>, vector<256x1xi32>, vector<256x1xi32>, vector<256x1xi32>, vector<256x1xi32>, vector<256x1xi32>, vector<256x1xi32>, vector<256x1xi32>, vector<256x1xi32>, vector<256x1xi32>, vector<256x1xi32>, vector<256x1xi32>, vector<256x1xi32>, vector<256x1xi32> -> vector<256x16xi32>
    %mul3A_986 = arith.constant 4096 : i32
    %mul3A_987 = arith.muli %arg0, %mul3A_986 : i32
    %add3A_988 = vector.broadcast %mul3A_987 : i32 to vector<256x16xi32>
    %add3A_989 = arith.addi %concatenate3A, %add3A_988 : vector<256x16xi32>
    %swap3A = arith.constant 0 : index
    %swap3A_990 = arith.constant 0 : index
    %swap3A_991 = arith.constant 0 : index
    %swap3A_992 = vector.load %arg4[%swap3A, %swap3A_990, %swap3A_991] : memref<1x256x16xi32, #tpu.memory_space<vmem>>, vector<1x256x16xi32>
    %swap3A_993 = vector.shape_cast %swap3A_992 : vector<1x256x16xi32> to vector<256x16xi32>
    %swap3A_994 = vector.shape_cast %add3A_989 : vector<256x16xi32> to vector<1x256x16xi32>
    tpu.vector_store %arg4[%swap3A, %swap3A_990, %swap3A_991], %swap3A_994 {strides = array<i32>} : memref<1x256x16xi32, #tpu.memory_space<vmem>>, vector<1x256x16xi32>,
    return
  }
  func.func @transform_0(%arg0: i32, %arg1: i32) -> (i32, i32, i32) {
    %c0_i32 = arith.constant 0 : i32
    %c0_i32_0 = arith.constant 0 : i32
    %c0_i32_1 = arith.constant 0 : i32
    return %arg0, %c0_i32, %c0_i32_0 : i32, i32, i32
  }
  func.func @transform_1(%arg0: i32, %arg1: i32) -> (i32, i32, i32) {
    %c0_i32 = arith.constant 0 : i32
    %c0_i32_0 = arith.constant 0 : i32
    return %arg0, %c0_i32, %arg1 : i32, i32, i32
  }
  func.func @transform_2(%arg0: i32, %arg1: i32) -> (i32, i32, i32) {
    %c0_i32 = arith.constant 0 : i32
    %c0_i32_0 = arith.constant 0 : i32
    return %arg0, %arg1, %c0_i32 : i32, i32, i32
  }
}

module attributes {stable_mosaic.version = 14 : i64} {
  func.func @_moments_body(%arg0: i32, %arg1: i32, %arg2: memref<1x512x16x16xf32, #tpu.memory_space<vmem>>, %arg3: memref<1x512x16xf32, #tpu.memory_space<vmem>>, %arg4: memref<16x16xf32, #tpu.memory_space<vmem>>, %arg5: memref<8x16xf32, #tpu.memory_space<vmem>>) attributes {dimension_semantics = [#tpu.dimension_semantics<arbitrary>, #tpu.dimension_semantics<arbitrary>], iteration_bounds = array<i64: 4, 8>, scalar_prefetch = 0 : i64, scratch_operands = 0 : i64, tpu.core_type = #tpu.core_type<tc>, window_params = [{transform_indices = @transform_0, window_bounds = array<i64: 1, 512, 16, 16>}, {transform_indices = @transform_1, window_bounds = array<i64: 1, 512, 16>}, {pipeline_mode = #tpu.pipeline_mode<synchronous>, transform_indices = @transform_2, window_bounds = array<i64: 16, 16>}, {pipeline_mode = #tpu.pipeline_mode<synchronous>, transform_indices = @transform_3, window_bounds = array<i64: 8, 16>}]} {
    %eq3A = arith.constant 0 : i32
    %eq3A_0 = arith.cmpi eq, %arg0, %eq3A : i32
    %eq3A_1 = arith.constant 0 : i32
    %eq3A_2 = arith.cmpi eq, %arg1, %eq3A_1 : i32
    %and3A = arith.andi %eq3A_0, %eq3A_2 : i1
    %get3A = arith.constant 0 : index
    %get3A_3 = arith.constant 0 : index
    %get3A_4 = arith.constant 0 : index
    %get3A_5 = arith.constant 0 : index
    %get3A_6 = vector.load %arg2[%get3A, %get3A_3, %get3A_4, %get3A_5] : memref<1x512x16x16xf32, #tpu.memory_space<vmem>>, vector<1x512x16x16xf32>
    %get3A_7 = vector.shape_cast %get3A_6 : vector<1x512x16x16xf32> to vector<512x16x16xf32>
    %get3A_8 = arith.constant 0 : index
    %get3A_9 = arith.constant 0 : index
    %get3A_10 = arith.constant 0 : index
    %get3A_11 = vector.load %arg3[%get3A_8, %get3A_9, %get3A_10] : memref<1x512x16xf32, #tpu.memory_space<vmem>>, vector<1x512x16xf32>
    %get3A_12 = vector.shape_cast %get3A_11 : vector<1x512x16xf32> to vector<512x16xf32>
    %broadcast_in_dim3A = vector.shape_cast %get3A_12 : vector<512x16xf32> to vector<512x1x16xf32>
    %sub3A = vector.broadcast %broadcast_in_dim3A : vector<512x1x16xf32> to vector<512x16x16xf32>
    %sub3A_13 = arith.subf %get3A_7, %sub3A : vector<512x16x16xf32>
    %reshape3A = vector.shape_cast %sub3A_13 : vector<512x16x16xf32> to vector<8192x16xf32>
    %dot_general3A = arith.constant dense<0.000000e+00> : vector<16x16xf32>
    %dot_general3A_14 = tpu.matmul %reshape3A, %reshape3A, %dot_general3A {dimension_numbers = #tpu.dot_dimension_numbers<[0], [0], [1], [1], [0, 1, 1, 1], [], []>, transpose_lhs_hint = false} : vector<8192x16xf32>, vector<8192x16xf32>, vector<16x16xf32> -> vector<16x16xf32>
    %reduce_sum3A = arith.constant dense<0.000000e+00> : vector<16xf32>
    %reduce_sum3A_15 = vector.multi_reduction <add>, %reshape3A, %reduce_sum3A [0] : vector<8192x16xf32> to vector<16xf32>
    %broadcast_in_dim3A_16 = vector.shape_cast %reduce_sum3A_15 : vector<16xf32> to vector<1x16xf32>
    %convert_element_type3A = arith.extui %and3A : i1 to i32
    %cond3A = arith.constant 0 : i32
    %cond3A_17 = arith.cmpi ne, %convert_element_type3A, %cond3A : i32
    scf.if %cond3A_17 {
      %broadcast_in_dim3A_30 = arith.constant 0.000000e+00 : f32
      %broadcast_in_dim3A_31 = vector.broadcast %broadcast_in_dim3A_30 : f32 to vector<16x16xf32>
      %swap3A_32 = arith.constant 0 : index
      %swap3A_33 = arith.constant 0 : index
      %swap3A_34 = vector.load %arg4[%swap3A_32, %swap3A_33] : memref<16x16xf32, #tpu.memory_space<vmem>>, vector<16x16xf32>
      tpu.vector_store %arg4[%swap3A_32, %swap3A_33], %broadcast_in_dim3A_31 {strides = array<i32>} : memref<16x16xf32, #tpu.memory_space<vmem>>, vector<16x16xf32>,
      %broadcast_in_dim3A_35 = arith.constant 0.000000e+00 : f32
      %broadcast_in_dim3A_36 = vector.broadcast %broadcast_in_dim3A_35 : f32 to vector<8x16xf32>
      %swap3A_37 = arith.constant 0 : index
      %swap3A_38 = arith.constant 0 : index
      %swap3A_39 = vector.load %arg5[%swap3A_37, %swap3A_38] : memref<8x16xf32, #tpu.memory_space<vmem>>, vector<8x16xf32>
      tpu.vector_store %arg5[%swap3A_37, %swap3A_38], %broadcast_in_dim3A_36 {strides = array<i32>} : memref<8x16xf32, #tpu.memory_space<vmem>>, vector<8x16xf32>,
    } else {
    }
    %get3A_18 = arith.constant 0 : index
    %get3A_19 = arith.constant 0 : index
    %get3A_20 = vector.load %arg4[%get3A_18, %get3A_19] : memref<16x16xf32, #tpu.memory_space<vmem>>, vector<16x16xf32>
    %add3A = arith.addf %get3A_20, %dot_general3A_14 : vector<16x16xf32>
    %swap3A = arith.constant 0 : index
    %swap3A_21 = arith.constant 0 : index
    %swap3A_22 = vector.load %arg4[%swap3A, %swap3A_21] : memref<16x16xf32, #tpu.memory_space<vmem>>, vector<16x16xf32>
    tpu.vector_store %arg4[%swap3A, %swap3A_21], %add3A {strides = array<i32>} : memref<16x16xf32, #tpu.memory_space<vmem>>, vector<16x16xf32>,
    %get3A_23 = arith.constant 0 : index
    %get3A_24 = arith.constant 0 : index
    %get3A_25 = vector.load %arg5[%get3A_23, %get3A_24] : memref<8x16xf32, #tpu.memory_space<vmem>>, vector<1x16xf32>
    %add3A_26 = arith.addf %get3A_25, %broadcast_in_dim3A_16 : vector<1x16xf32>
    %swap3A_27 = arith.constant 0 : index
    %swap3A_28 = arith.constant 0 : index
    %swap3A_29 = vector.load %arg5[%swap3A_27, %swap3A_28] : memref<8x16xf32, #tpu.memory_space<vmem>>, vector<1x16xf32>
    tpu.vector_store %arg5[%swap3A_27, %swap3A_28], %add3A_26 {strides = array<i32>} : memref<8x16xf32, #tpu.memory_space<vmem>>, vector<1x16xf32>,
    return
  }
  func.func @transform_0(%arg0: i32, %arg1: i32) -> (i32, i32, i32, i32) {
    %c0_i32 = arith.constant 0 : i32
    %c0_i32_0 = arith.constant 0 : i32
    %c0_i32_1 = arith.constant 0 : i32
    return %arg0, %arg1, %c0_i32, %c0_i32_0 : i32, i32, i32, i32
  }
  func.func @transform_1(%arg0: i32, %arg1: i32) -> (i32, i32, i32) {
    %c0_i32 = arith.constant 0 : i32
    %c0_i32_0 = arith.constant 0 : i32
    return %arg0, %arg1, %c0_i32 : i32, i32, i32
  }
  func.func @transform_2(%arg0: i32, %arg1: i32) -> (i32, i32) {
    %c0_i32 = arith.constant 0 : i32
    %c0_i32_0 = arith.constant 0 : i32
    %c0_i32_1 = arith.constant 0 : i32
    return %c0_i32, %c0_i32_0 : i32, i32
  }
  func.func @transform_3(%arg0: i32, %arg1: i32) -> (i32, i32) {
    %c0_i32 = arith.constant 0 : i32
    %c0_i32_0 = arith.constant 0 : i32
    %c0_i32_1 = arith.constant 0 : i32
    return %c0_i32, %c0_i32_0 : i32, i32
  }
}

module attributes {stable_mosaic.version = 14 : i64} {
  func.func @_mlp_body(%arg0: i32, %arg1: i32, %arg2: memref<1x512x16x16xf32, #tpu.memory_space<vmem>>, %arg3: memref<1x512x16xf32, #tpu.memory_space<vmem>>, %arg4: memref<16x32xf32, #tpu.memory_space<vmem>>, %arg5: memref<8x32xf32, #tpu.memory_space<vmem>>, %arg6: memref<32x32xf32, #tpu.memory_space<vmem>>, %arg7: memref<8x32xf32, #tpu.memory_space<vmem>>, %arg8: memref<1x32x512xf32, #tpu.memory_space<vmem>>) attributes {dimension_semantics = [#tpu.dimension_semantics<arbitrary>, #tpu.dimension_semantics<arbitrary>], iteration_bounds = array<i64: 4, 8>, scalar_prefetch = 0 : i64, scratch_operands = 0 : i64, tpu.core_type = #tpu.core_type<tc>, window_params = [{transform_indices = @transform_0, window_bounds = array<i64: 1, 512, 16, 16>}, {transform_indices = @transform_1, window_bounds = array<i64: 1, 512, 16>}, {pipeline_mode = #tpu.pipeline_mode<synchronous>, transform_indices = @transform_2, window_bounds = array<i64: 16, 32>}, {pipeline_mode = #tpu.pipeline_mode<synchronous>, transform_indices = @transform_3, window_bounds = array<i64: 8, 32>}, {pipeline_mode = #tpu.pipeline_mode<synchronous>, transform_indices = @transform_4, window_bounds = array<i64: 32, 32>}, {pipeline_mode = #tpu.pipeline_mode<synchronous>, transform_indices = @transform_5, window_bounds = array<i64: 8, 32>}, {transform_indices = @transform_6, window_bounds = array<i64: 1, 32, 512>}]} {
    %get3A = arith.constant 0 : index
    %get3A_0 = arith.constant 0 : index
    %get3A_1 = arith.constant 0 : index
    %get3A_2 = arith.constant 0 : index
    %get3A_3 = vector.load %arg2[%get3A, %get3A_0, %get3A_1, %get3A_2] : memref<1x512x16x16xf32, #tpu.memory_space<vmem>>, vector<1x512x16x16xf32>
    %get3A_4 = vector.shape_cast %get3A_3 : vector<1x512x16x16xf32> to vector<512x16x16xf32>
    %get3A_5 = arith.constant 0 : index
    %get3A_6 = arith.constant 0 : index
    %get3A_7 = arith.constant 0 : index
    %get3A_8 = vector.load %arg3[%get3A_5, %get3A_6, %get3A_7] : memref<1x512x16xf32, #tpu.memory_space<vmem>>, vector<1x512x16xf32>
    %get3A_9 = vector.shape_cast %get3A_8 : vector<1x512x16xf32> to vector<512x16xf32>
    %broadcast_in_dim3A = vector.shape_cast %get3A_9 : vector<512x16xf32> to vector<512x1x16xf32>
    %sub3A = vector.broadcast %broadcast_in_dim3A : vector<512x1x16xf32> to vector<512x16x16xf32>
    %sub3A_10 = arith.subf %get3A_4, %sub3A : vector<512x16x16xf32>
    %reshape3A = vector.shape_cast %sub3A_10 : vector<512x16x16xf32> to vector<8192x16xf32>
    %get3A_11 = arith.constant 0 : index
    %get3A_12 = arith.constant 0 : index
    %get3A_13 = vector.load %arg4[%get3A_11, %get3A_12] : memref<16x32xf32, #tpu.memory_space<vmem>>, vector<16x32xf32>
    %dot_general3A = arith.constant dense<0.000000e+00> : vector<8192x32xf32>
    %dot_general3A_14 = tpu.matmul %reshape3A, %get3A_13, %dot_general3A {dimension_numbers = #tpu.dot_dimension_numbers<[1], [0], [0], [1], [0, 0, 1, 1], [], []>, transpose_lhs_hint = false} : vector<8192x16xf32>, vector<16x32xf32>, vector<8192x32xf32> -> vector<8192x32xf32>
    %get3A_15 = arith.constant 0 : index
    %get3A_16 = arith.constant 0 : index
    %get3A_17 = vector.load %arg5[%get3A_15, %get3A_16] : memref<8x32xf32, #tpu.memory_space<vmem>>, vector<1x32xf32>
    %add3A = vector.broadcast %get3A_17 : vector<1x32xf32> to vector<8192x32xf32>
    %add3A_18 = arith.addf %dot_general3A_14, %add3A : vector<8192x32xf32>
    %max3A = arith.constant 0.000000e+00 : f32
    %max3A_19 = vector.broadcast %max3A : f32 to vector<8192x32xf32>
    %max3A_20 = arith.maximumf %add3A_18, %max3A_19 : vector<8192x32xf32>
    %get3A_21 = arith.constant 0 : index
    %get3A_22 = arith.constant 0 : index
    %get3A_23 = vector.load %arg6[%get3A_21, %get3A_22] : memref<32x32xf32, #tpu.memory_space<vmem>>, vector<32x32xf32>
    %dot_general3A_24 = arith.constant dense<0.000000e+00> : vector<8192x32xf32>
    %dot_general3A_25 = tpu.matmul %max3A_20, %get3A_23, %dot_general3A_24 {dimension_numbers = #tpu.dot_dimension_numbers<[1], [0], [0], [1], [0, 0, 1, 1], [], []>, transpose_lhs_hint = false} : vector<8192x32xf32>, vector<32x32xf32>, vector<8192x32xf32> -> vector<8192x32xf32>
    %get3A_26 = arith.constant 0 : index
    %get3A_27 = arith.constant 0 : index
    %get3A_28 = vector.load %arg7[%get3A_26, %get3A_27] : memref<8x32xf32, #tpu.memory_space<vmem>>, vector<1x32xf32>
    %add3A_29 = vector.broadcast %get3A_28 : vector<1x32xf32> to vector<8192x32xf32>
    %add3A_30 = arith.addf %dot_general3A_25, %add3A_29 : vector<8192x32xf32>
    %reshape3A_31 = vector.shape_cast %add3A_30 : vector<8192x32xf32> to vector<512x16x32xf32>
    %reduce_max3A = arith.constant dense<0xFF800000> : vector<512x32xf32>
    %reduce_max3A_32 = vector.multi_reduction <maximumf>, %reshape3A_31, %reduce_max3A [1] : vector<512x16x32xf32> to vector<512x32xf32>
    %transpose3A = tpu.transpose %reduce_max3A_32, [1, 0] : vector<512x32xf32> -> vector<32x512xf32>
    %swap3A = arith.constant 0 : index
    %swap3A_33 = arith.constant 0 : index
    %swap3A_34 = arith.constant 0 : index
    %swap3A_35 = vector.load %arg8[%swap3A, %swap3A_33, %swap3A_34] : memref<1x32x512xf32, #tpu.memory_space<vmem>>, vector<1x32x512xf32>
    %swap3A_36 = vector.shape_cast %swap3A_35 : vector<1x32x512xf32> to vector<32x512xf32>
    %swap3A_37 = vector.shape_cast %transpose3A : vector<32x512xf32> to vector<1x32x512xf32>
    tpu.vector_store %arg8[%swap3A, %swap3A_33, %swap3A_34], %swap3A_37 {strides = array<i32>} : memref<1x32x512xf32, #tpu.memory_space<vmem>>, vector<1x32x512xf32>,
    return
  }
  func.func @transform_0(%arg0: i32, %arg1: i32) -> (i32, i32, i32, i32) {
    %c0_i32 = arith.constant 0 : i32
    %c0_i32_0 = arith.constant 0 : i32
    %c0_i32_1 = arith.constant 0 : i32
    return %arg0, %arg1, %c0_i32, %c0_i32_0 : i32, i32, i32, i32
  }
  func.func @transform_1(%arg0: i32, %arg1: i32) -> (i32, i32, i32) {
    %c0_i32 = arith.constant 0 : i32
    %c0_i32_0 = arith.constant 0 : i32
    return %arg0, %arg1, %c0_i32 : i32, i32, i32
  }
  func.func @transform_2(%arg0: i32, %arg1: i32) -> (i32, i32) {
    %c0_i32 = arith.constant 0 : i32
    %c0_i32_0 = arith.constant 0 : i32
    %c0_i32_1 = arith.constant 0 : i32
    return %c0_i32, %c0_i32_0 : i32, i32
  }
  func.func @transform_3(%arg0: i32, %arg1: i32) -> (i32, i32) {
    %c0_i32 = arith.constant 0 : i32
    %c0_i32_0 = arith.constant 0 : i32
    %c0_i32_1 = arith.constant 0 : i32
    return %c0_i32, %c0_i32_0 : i32, i32
  }
  func.func @transform_4(%arg0: i32, %arg1: i32) -> (i32, i32) {
    %c0_i32 = arith.constant 0 : i32
    %c0_i32_0 = arith.constant 0 : i32
    %c0_i32_1 = arith.constant 0 : i32
    return %c0_i32, %c0_i32_0 : i32, i32
  }
  func.func @transform_5(%arg0: i32, %arg1: i32) -> (i32, i32) {
    %c0_i32 = arith.constant 0 : i32
    %c0_i32_0 = arith.constant 0 : i32
    %c0_i32_1 = arith.constant 0 : i32
    return %c0_i32, %c0_i32_0 : i32, i32
  }
  func.func @transform_6(%arg0: i32, %arg1: i32) -> (i32, i32, i32) {
    %c0_i32 = arith.constant 0 : i32
    %c0_i32_0 = arith.constant 0 : i32
    return %arg0, %c0_i32, %arg1 : i32, i32, i32
  }
}

</mosaic_0001>

<sc_bundles>
// kernel: kernel.6.cloned.1.call-start
scs
__scs_entry_jumppad:
0x0: {  	(pc) =	sbr.rel $0x88, $3  }
0x1: {  	(tag) =	ssettag $0x0;
	lr =	simm.s32 $0x1  }
0x2: {  	[smem:$0x3F9A] =	sst lr;
	_ =	strace $0xD0000000  }
0x3: {  	_ = 	snop  }
0x4: {  	_ = 	snop  }
0x5: {  	_ = 	snop  }
0x6: {  	_ = 	snop  }
0x7: {  	_ = 	snop  }
__scs_overlays_trampoline_lowered:
0x8: {  	[smem:$0x3FA9] =	sst s0  }
0x9: {  	[smem:$0x3FAA] =	sst s1  }
0xa: {  	[smem:$0x3FAB] =	sst s2  }
0xb: {  	[smem:$0x3FAC] =	sst s3  }
0xc: {  	[smem:$0x3FAD] =	sst s4  }
0xd: {  	[smem:$0x3FAE] =	sst s5  }
0xe: {  	[smem:$0x3FAF] =	sst s6  }
0xf: {  	[smem:$0x3FB0] =	sst s7  }
0x10: {  	[smem:$0x3FB1] =	sst s8  }
0x11: {  	[smem:$0x3FB2] =	sst s9;
	s0 =	simm.s32 @!p0 $0x0  }
0x12: {  	s1 =	sld [smem:$0x3F98];
	s0 =	simm.s32 @p0 $0x1  }
0x13: {  	[smem:$0x3FB3] =	sst s0;
	s0 =	simm.s32 @!p1 $0x0  }
0x14: {  	s2 =	sld [smem:$0x3F97];
	s0 =	simm.s32 @p1 $0x1  }
0x15: {  	[smem:$0x3FB4] =	sst s0;
	s0 =	simm.s32 @!p2 $0x0  }
0x16: {  	s3 =	sld [smem:$0x3FDB];
	s0 =	simm.s32 @p2 $0x1  }
0x17: {  	s4 =	simm.s32 $0x1BF5;
	[smem:$0x3FB6] =	sst s0  }
0x18: {  	s0 =	sld [smem:$0x3F99];
	_ =	swait.ge [sflag:s4], $0x0  }
0x19: {  	s7 =	sld [smem:$0x3F9A]  }
0x1a: {  	s8 =	sadd.s32 $0xFFFFE003, lr  }
0x1b: {  	s9 =	sadd.s32 $0xFFFFFEF7, lr;
	s5 =	simm.s32 $0xFFFFFFFF;
	p2 =	slt.u32 s8, $0xFFFFF086  }
0x1c: {  	p1 =	slt.u32 s9, $0xF7A;
	s5 =	simm.s32 @!p2 $0x0  }
0x1d: {  	s5 =	simm.s32 @p1 $0x1;
	p0 =	seq.s32 s7, s2  }
0x1e: {  	s7 =	smul.u32 @!p0 $0xF7A, s2;
	p2 =	seq.s32 @!p0 s5, $0x0  }
0x1f: {  	s9 =	smul.u32 $0xF7A, s1;
	s8 =	simm.s32 @!p0 $0x1BF5;
	p2 =	por !p2, p0  }
0x20: {  	[sflag:s8] =	ssyncset.s32 @!p0 $0xFFFFF086;
	s6 =	sadd.s32 @!p0 s3, s7;
	s7 =	simm.s32 @!p0 $0x108  }
0x21: {  	s3 =	sadd.s32 s3, s9;
	s6 =	sadd.s32 @!p0 $0x88, s6;
	s7 =	simm.s32 @p2 $0x1082  }
0x22: {  	[simem:s7], [sflag:s8] =	dma.local @!p0 [hbm:s6], $0xF7A  }
0x23: {  	s9 =	sor.u32 $0xD0000000, s2;
	s6 =	simm.s32 $0x108;
	_ =	swait.ge @!p0 [sflag:s8], $0x0  }
0x24: {  	s3 =	sadd.s32 $0x88, s3;
	s6 =	simm.s32 @!p1 $0x1082;
	[sflag:s4] =	ssyncset.s32 $0xFFFFF086  }
0x25: {  	[simem:s6], [sflag:s4] =	dma.local [hbm:s3], $0xF7A  }
0x26: {  	[smem:$0x3F9A] =	sst s1;
	(tag) =	ssettag s2;
	_ =	strace s9  }
0x27: {  	s1 =	sld [smem:$0x3FAA]  }
0x28: {  	s2 =	sld [smem:$0x3FAB]  }
0x29: {  	s4 =	sld [smem:$0x3FAD]  }
0x2a: {  	p0 =	seq.s32 s5, $0x0;
	s5 =	sld [smem:$0x3FAE]  }
0x2b: {  	s6 =	sld [smem:$0x3FAF]  }
0x2c: {  	s7 =	sld [smem:$0x3FB0]  }
0x2d: {  	s3 =	simm.s32 $0x108;
	s8 =	sld [smem:$0x3FB1]  }
0x2e: {  	s3 =	simm.s32 @!p0 $0x1082;
	s9 =	sld [smem:$0x3FB2]  }
0x2f: {  	lr =	sadd.s32 s0, s3;
	s0 =	sld [smem:$0x3FA9]  }
0x30: {  	s3 =	sld [smem:$0x3FAC]  }
0x31: {  	[smem:$0x3FB5] =	sst s10  }
0x32: {  	s10 =	sld [smem:$0x3FB3];
	_ =	sdelay $0x3  }
0x33: {  	p0 =	seq.s32 s10, $0x1;
	s10 =	sld [smem:$0x3FB5];
	_ =	sdelay $0x3  }
0x34: {  	[smem:$0x3FB5] =	sst s10  }
0x35: {  	s10 =	sld [smem:$0x3FB4];
	_ =	sdelay $0x3  }
0x36: {  	p1 =	seq.s32 s10, $0x1;
	s10 =	sld [smem:$0x3FB5];
	_ =	sdelay $0x3  }
0x37: {  	[smem:$0x3FB5] =	sst s10  }
0x38: {  	s10 =	sld [smem:$0x3FB6]  }
0x39: {  	_ = 	snop;
	(pc) =	sbr.ind lr, $3  }
0x3a: {  	_ = 	snop  }
0x3b: {  	_ = 	snop  }
0x3c: {  	p2 =	seq.s32 s10, $0x1;
	s10 =	sld [smem:$0x3FB5]  }
0x3d: {  	_ =	shalt  }
0x3e: {  	_ =	shalt  }
0x3f: {  	_ =	shalt  }
0x40: {  	_ =	shalt  }
0x41: {  	_ =	shalt  }
0x42: {  	_ =	shalt  }
0x43: {  	_ =	shalt  }
0x44: {  	_ =	shalt  }
0x45: {  	_ =	shalt  }
0x46: {  	_ =	shalt  }
0x47: {  	_ =	shalt  }
0x48: {  	_ =	shalt  }
0x49: {  	_ =	shalt  }
0x4a: {  	_ =	shalt  }
0x4b: {  	_ =	shalt  }
0x4c: {  	_ =	shalt  }
0x4d: {  	_ =	shalt  }
0x4e: {  	_ =	shalt  }
0x4f: {  	_ =	shalt  }
0x50: {  	_ =	shalt  }
0x51: {  	_ =	shalt  }
0x52: {  	_ =	shalt  }
0x53: {  	_ =	shalt  }
0x54: {  	_ =	shalt  }
0x55: {  	_ =	shalt  }
0x56: {  	_ =	shalt  }
0x57: {  	_ =	shalt  }
0x58: {  	_ =	shalt  }
0x59: {  	_ =	shalt  }
0x5a: {  	_ =	shalt  }
0x5b: {  	_ =	shalt  }
0x5c: {  	_ =	shalt  }
0x5d: {  	_ =	shalt  }
0x5e: {  	_ =	shalt  }
0x5f: {  	_ =	shalt  }
0x60: {  	_ =	shalt  }
0x61: {  	_ =	shalt  }
0x62: {  	_ =	shalt  }
0x63: {  	_ =	shalt  }
0x64: {  	_ =	shalt  }
0x65: {  	_ =	shalt  }
0x66: {  	_ =	shalt  }
0x67: {  	_ =	shalt  }
0x68: {  	_ =	shalt  }
0x69: {  	_ =	shalt  }
0x6a: {  	_ =	shalt  }
0x6b: {  	_ =	shalt  }
0x6c: {  	_ =	shalt  }
0x6d: {  	_ =	shalt  }
0x6e: {  	_ =	shalt  }
0x6f: {  	_ =	shalt  }
0x70: {  	_ =	shalt  }
0x71: {  	_ =	shalt  }
0x72: {  	_ =	shalt  }
0x73: {  	_ =	shalt  }
0x74: {  	_ =	shalt  }
0x75: {  	_ =	shalt  }
0x76: {  	_ =	shalt  }
0x77: {  	_ =	shalt  }
0x78: {  	_ =	shalt  }
0x79: {  	_ =	shalt  }
0x7a: {  	_ =	shalt  }
0x7b: {  	_ =	shalt  }
0x7c: {  	_ =	shalt  }
0x7d: {  	_ =	shalt  }
0x7e: {  	_ =	shalt  }
0x7f: {  	_ =	shalt  }
0x80: {  	_ =	shalt  }
0x81: {  	_ =	shalt  }
0x82: {  	_ =	shalt  }
0x83: {  	_ =	shalt  }
0x84: {  	_ =	shalt  }
0x85: {  	_ =	shalt  }
0x86: {  	_ =	shalt  }
0x87: {  	_ =	shalt  }
.Lfunc_end0:
.L_simem_size_0:
called_computation_lowered:
.L_overlay_start_0:
0x88: {  	s2 =	sld [smem:$0x3FD9]  }
0x89: {  	s3 =	sld [smem:$0x3FFE];
	_ =	sdelay $0x1  }
0x8a: {  	s1 =	srdreg.scid  }
0x8b: {  	s0 =	sand.u32 $0x1, s1  }
0x8c: {  	s17 =	sshll.u32 s0, $0xA;
	s2 =	sadd.s32 s3, s2  }
0x8d: {  	s2 =	sadd.s32 s2, s17  }
0x8e: {  	[smem:$0x3FC1] =	sst s2  }
0x8f: {  	_ = 	snop  }
0x90: {  	s2 =	sld [smem:$0x3FD0];
	(tm) =	ssettm $0x1  }
0x91: {  	s18 =	sld [smem:$0x3FFB];
	_ =	sdelay $0x3  }
0x92: {  	_ =	strace s18  }
0x93: {  	s3 =	sld [smem:$0x3FFC];
	_ =	sdelay $0x3  }
0x94: {  	_ =	strace s3  }
0x95: {  	s3 =	sld [smem:$0x3FFD];
	_ =	sdelay $0x3  }
0x96: {  	_ =	strace s3  }
0x97: {  	_ =	strace $0x8FFFFFFF  }
0x98: {  	s19 =	sld [smem:$0x3FDB];
	_ =	sdelay $0x1  }
0x99: {  	s4 =	simm.s32 $_scs_section_size  }
0x9a: {  	s5 =	simm.s32 $_size__tile_overlayer_lowered;
	s6 =	simm.s32 $_tile_overlayer_lowered  }
0x9b: {  	s22 =	simm.s32 $0x1BFF;
	s21 =	sshll.u32 s6, $0x1;
	s3 =	sadd.s32 s4, s19  }
0x9c: {  	s7 =	simm.s32 $0x0;
	s20 =	sshll.u32 s5, $0x1;
	s5 =	sadd.s32 s21, s3  }
0x9d: {  	[timem:s7], [sflag:s22] =	dma.local [hbm:s5], s20  }
0x9e: {  	_ =	swait.ge [sflag:s22], s20  }
0x9f: {  	s4 =	ssub.s32 $0x0, s20;
	[sflag:s22] =	ssyncset.done $0x0  }
0xa0: {  	[sflag:s22] =	ssyncadd.s32 s4;
	_ =	sdelay $0x1  }
0xa1: {  	s23 =	simm.s32 $0x1B8B  }
0xa2: {  	_ =	swait.ge [sflag:s23], $0x1  }
0xa3: {  	[sflag:s23] =	ssyncset.done $0x0  }
0xa4: {  	s25 =	simm.s32 $0x1B8E;
	s24 =	sld [smem:$0x3FFE];
	[sflag:s23] =	ssyncadd.s32 $0xFFFFFFFF  }
0xa5: {  	s26 =	simm.s32 $execute0_lowered;
	[smem:$0x3FD2] =	sst s25  }
0xa6: {  	s5 =	sshll.u32 s26, $0x1;
	_ =	strace $0x80000046;
	[dreg:$0x1] =	wrdreg $0xFFFFFFFF  }
0xa7: {  	s28 =	simm.s32 $_size_execute0_lowered;
	s3 =	sadd.s32 s3, s5;
	[dreg:$0x0] =	wrdreg $0x0  }
0xa8: {  	s5 =	sshll.u32 s28, $0x1;
	[dreg:$0x2] =	wrdreg s3  }
0xa9: {  	[dreg:$0x3] =	wrdreg s5  }
0xaa: {  	[dreg:$0x4] =	wrdreg $0xC0  }
0xab: {  	_ =	task [dreg:s7], $0x5FFFF  }
0xac: {  	[dreg:$0x1] =	wrdreg $0xFFFFFFFF  }
0xad: {  	[dreg:$0x0] =	wrdreg $0x60  }
0xae: {  	[dreg:$0x2] =	wrdreg s2  }
0xaf: {  	[dreg:$0x3] =	wrdreg s24  }
0xb0: {  	[dreg:$0x4] =	wrdreg $0x9  }
0xb1: {  	_ =	task.clear_ibuf [dreg:s7], $0x5FFFF;
	_ =	strace $0x90000046  }
0xb2: {  	s29 =	simm.s32 $0x9;
	_ =	strace $0x80000048  }
0xb3: {  	_ =	swait.ge [sflag:s29], $0x1  }
0xb4: {  	[sflag:s29] =	ssyncadd.s32 $0xFFFFFFFF  }
0xb5: {  	_ =	strace $0x90000048  }
0xb6: {  	_ =	sfence  }
0xb7: {  	s30 =	sld [smem:$0x0];
	_ =	sdelay $0x2  }
0xb8: {  	s31 =	sshll.u32 s1, $0xD;
	s1 =	sshrl.u32 s1, $0x2  }
0xb9: {  	s3 =	sand.u32 $0x4000, s31;
	s1 =	sadd.s32 s1, s30  }
0xba: {  	s0 =	sor.u32 s3, s0;
	s1 =	sshll.u32 s1, $0x11  }
0xbb: {  	s0 =	sor.u32 s1, s0  }
0xbc: {  	s0 =	sadd.s32 $0x8F2B, s0  }
0xbd: {  	[sflag:s0] =	ssyncadd.remote.s32 $0x1  }
0xbe: {  	_ =	sfence.sel $0xFFFF  }
0xbf: {  	[dreg:$0x0] =	wrdreg $0xFFFFFFFF;
	(pc) =	sbr.abs _section_cstart, $3  }
0xc0: {  	[dreg:$0x1] =	wrdreg $0xFFFFFFFF  }
0xc1: {  	_ =	task.clear_ibuf [dreg:s7], $0x2FFFF;
	_ =	strace $0x9FFFFFFF  }
0xc2: {  	(tm) =	ssettm $0x7FFFFFFF  }
0xc3: {  	_ =	shalt  }
tec
execute0_lowered:
.L_overlay_start_1:
0x0: {  	(tag) =	ssettag $0x1  }
0x1: {  	s1 =	rddreg [dreg:$0x0]  }
0x2: {  	s4 =	rddreg [dreg:$0x1]  }
0x3: {  	s0 =	rddreg [dreg:$0x2];
	s5 =	srdreg.scid  }
0x4: {  	s3 =	simm.s32 $0x0;
	s2 =	stileid.u32;
	s10 =	simm.s32 $0x1  }
0x5: {  	s11 =	simm.s32 $0x0;
	s5 =	sand.u32 $0x1, s5;
	[smem:$0x7FF] =	sst s3  }
0x6: {  	s6 =	sshll.u32 s2, $0xB;
	s8 =	sshll.u32 s2, $0xF;
	s7 =	sshll.u32 s5, $0xA  }
0x7: {  	_ =	strace $0x80000047;
	s29 =	ssub.s32 $0x2, s5;
	s8 =	sadd.s32 s8, s4  }
0x8: {  	s30 =	sshll.u32 s5, $0xE;
	s6 =	sor.u32 s7, s6;
	s9 =	sshrl.u32 s29, $0x1  }
0x9: {  	s31 =	sadd.s32 s30, s8;
	s8 =	simm.s32 $0x80;
	s6 =	sadd.s32 s6, s4  }
0xa: {  	s7 =	ssub.s32 s29, s9;
	s9 =	simm.s32 $0x2000;
	s4 =	sadd.s32 $0x1000, s6  }
0xb: {  	s5 =	smax.u32 s7, $0x1;
	s6 =	sadd.s32 $0x9000, s31;
	s7 =	simm.s32 $0x2  }
.LBB2_1:
0xc: {  	[tilespmem:s3], [sflag:$0x2] =	stream.linear.gather [hbm4b:s4+s3], $0x2000, $0x38;
	[tilespmem:$0x2800] =	vst v63  }
0xd: {  	_ =	swait.ge [sflag:s7], $0x2000  }
0xe: {  	[sflag:s7] =	ssyncset.done $0x0  }
0xf: {  	[sflag:s7] =	ssyncadd.s32 $0xFFFFE000  }
0x10: {  	[tilespmem:s9], [sflag:$0x1] =	stream.indirect.gather [hbm4b:s1+s8], $0x10, s3, s8, $0xb8;
	[tilespmem:$0x2800] =	vst v63  }
0x11: {  	_ =	swait.ge [sflag:s10], $0x800  }
0x12: {  	[sflag:s10] =	ssyncset.done $0x0  }
0x13: {  	s12 =	sadd.s32 $0x0, s6;
	[sflag:s10] =	ssyncadd.s32 $0xFFFFF800  }
0x14: {  	[hbm4b:s12+s3] =	stream.linear.scatter [tilespmem:s9], [sflag:$0x2], $0x800, $0x38;
	[tilespmem:$0x2800] =	vst v63  }
0x15: {  	_ =	swait.ge [sflag:s7], $0x800  }
0x16: {  	s13 =	simm.s32 $0x0;
	s12 =	simm.s32 $0x100;
	[sflag:s7] =	ssyncset.done $0x0  }
.LBB2_2:
0x17: {  	p0 =	sne.s32 s12, $0x3F00;
	[sflag:s7] =	ssyncadd.s32 $0xFFFFF800;
	s13 =	sadd.s32 $0x80, s13  }
0x18: {  	[tilespmem:s9], [sflag:$0x1] =	stream.indirect.gather [hbm4b:s1+s8], $0x10, s13, s8, $0xb8;
	[tilespmem:$0x2800] =	vst v63  }
0x19: {  	s14 =	smov.u32 s12;
	s12 =	sadd.s32 $0x100, s12;
	_ =	swait.ge [sflag:s10], $0x800  }
.Ltmp0:
0x1a: {  	[sflag:s10] =	ssyncset.done $0x0;
	(pc) =	sbr.rel @p0 .LBB2_2-.Ltmp0, $4  }
0x1b: {  	s14 =	sadd.s32 s14, s6;
	[sflag:s10] =	ssyncadd.s32 $0xFFFFF800  }
0x1c: {  	[hbm4b:s14+s3] =	stream.linear.scatter [tilespmem:s9], [sflag:$0x2], $0x800, $0x38;
	[tilespmem:$0x2800] =	vst v63  }
0x1d: {  	_ =	swait.ge [sflag:s7], $0x800  }
0x1e: {  	[sflag:s7] =	ssyncset.done $0x0  }
0x1f: {  	s11 =	sadd.s32 $0x1, s11  }
0x20: {  	p0 =	sne.s32 s11, s5  }
.Ltmp1:
0x21: {  	_ = 	snop;
	(pc) =	sbr.rel @p0 .LBB2_1-.Ltmp1, $2  }
0x22: {  	_ =	sdelay $0x2  }
0x23: {  	[sflag:s7] =	ssyncadd.s32 $0xFFFFF800  }
0x24: {  	_ =	sfence.sel $0x180000  }
0x25: {  	[bflag:$0x0] =	sbarrier.arrive $0xFFFF  }
0x26: {  	p0 =	sne.s32 s2, $0x0;
	_ =	strace $0x90000047  }
0x27: {  	s0 =	sadd.s32 @!p0 $0x100000, s0;
	[bflag:$0x2] =	sbarrier.arrive $0xFFFF  }
0x28: {  	[sflag:s0] =	ssyncadd.tile.s32 @!p0 $0x1;
	_ =	shalt  }
.Lfunc_end2:
_tile_overlayer_lowered:
.L_overlay_start_2:
0x29: {  	(tag) =	ssettag $0x2  }
0x2a: {  	s0 =	rddreg [dreg:$0x0];
	s2 =	stileid.u32  }
0x2b: {  	s1 =	rddreg [dreg:$0x1];
	p0 =	sne.s32 s2, $0x0  }
0x2c: {  	s3 =	rddreg [dreg:$0x2];
	[bflag:$0x3] =	sbarrier.arrive $0xFFFF;
	s2 =	simm.s32 @!p0 $0x1C02  }
0x2d: {  	[timem:s3], [sflag:s2] =	dma.local @!p0 [hbm:s0], s1  }
0x2e: {  	s0 =	simm.s32 @!p0 $0x2  }
0x2f: {  	_ =	swait.ge @!p0 [sflag:s0], s1  }
0x30: {  	s1 =	ssub.s32 @!p0 $0x0, s1;
	[sflag:s0] =	ssyncset.done @!p0 $0x0  }
0x31: {  	[sflag:s0] =	ssyncadd.s32 @!p0 s1  }
0x32: {  	[bflag:$0x3] =	sbarrier.arrive $0xFFFF  }
0x33: {  	_ =	shalt  }

</sc_bundles>
